<compile_context>
chip_gen: v7x
topology: tpu7x:2x2x1
jax: 0.10.2.dev20260603
libtpu: 0.0.44.dev20260713+nightly
codegen_flags: <defaults>
</compile_context>

<pallas_src>
import functools

import jax
import jax.numpy as jnp
from jax import lax
from jax.experimental import pallas as pl
from jax.experimental.pallas import tpu as pltpu
from jax.experimental.pallas import tpu_sc as plsc

_N = 10000
_E = 320000
_D = 128
_KAPPA = 0.95

_NC = 2
_NS = 16
_NW = _NC * _NS
_CHUNK = 128
_NCHUNK = 80
_EPW = _NCHUNK * _CHUNK
_EPAD = _NW * _EPW
_NP = 10240
_RPS = _NP // _NS
_ZROWS = 128

_mesh = plsc.VectorSubcoreMesh(core_axis_name="c", subcore_axis_name="s")


@functools.partial(
    pl.kernel,
    out_type=jax.ShapeDtypeStruct((_NC, _NP, _D), jnp.float32),
    mesh=_mesh,
    scratch_types=[
        pltpu.VMEM((_NCHUNK, _CHUNK), jnp.int32),
        pltpu.VMEM((_CHUNK, _D), jnp.float32),
        pltpu.VMEM_SHARED((_NP, _D), jnp.float32),
    ],
)
def _sc_degree(dst_hbm, out_hbm, didx_v, ones_v, acc_sh):
    c = lax.axis_index("c")
    s = lax.axis_index("s")

    @pl.loop(0, _CHUNK)
    def _(r):
        @pl.loop(0, _D, step=16)
        def _(cc):
            ones_v.at[pl.ds(r, 1), pl.ds(cc, 16)][...] = jnp.zeros((1, 16), jnp.float32)

    @pl.loop(0, _RPS // _CHUNK)
    def _(k):
        pltpu.sync_copy(ones_v, acc_sh.at[pl.ds(s * _RPS + k * _CHUNK, _CHUNK)])

    @pl.loop(0, _CHUNK)
    def _(r):
        @pl.loop(0, _D, step=16)
        def _(cc):
            ones_v.at[pl.ds(r, 1), pl.ds(cc, 16)][...] = jnp.ones((1, 16), jnp.float32)

    w = c * _NS + s
    pltpu.sync_copy(dst_hbm.at[w], didx_v)
    plsc.subcore_barrier()

    @pl.loop(0, _NCHUNK)
    def _(i):
        pltpu.sync_copy(ones_v, acc_sh.at[didx_v.at[i]], add=True)

    plsc.subcore_barrier()
    @pl.loop(0, _RPS // _CHUNK)
    def _(k):
        off = s * _RPS + k * _CHUNK
        pltpu.sync_copy(acc_sh.at[pl.ds(off, _CHUNK)], ones_v)
        pltpu.sync_copy(ones_v, out_hbm.at[c, pl.ds(off, _CHUNK)])


_HCHUNK = _NCHUNK // 2


@functools.partial(
    pl.kernel,
    out_type=jax.ShapeDtypeStruct((_NC, _NP, _D), jnp.float32),
    mesh=_mesh,
    scratch_types=[
        pltpu.VMEM((_HCHUNK, _CHUNK), jnp.int32),
        pltpu.VMEM((_HCHUNK, _CHUNK), jnp.int32),
        pltpu.VMEM((_CHUNK, _D), jnp.float32),
        pltpu.VMEM((_CHUNK, _D), jnp.float32),
        pltpu.VMEM_SHARED((_NP, _D), jnp.float32),
        pltpu.SemaphoreType.DMA,
        pltpu.SemaphoreType.DMA,
    ],
)
def _sc_messages(g_hbm, src_hbm, dst_hbm, out_hbm,
                 sidx_v, didx_v, rows0_v, rows1_v, acc_sh, sem0, sem1):
    c = lax.axis_index("c")
    s = lax.axis_index("s")

    @pl.loop(0, _CHUNK)
    def _(r):
        @pl.loop(0, _D, step=16)
        def _(cc):
            rows0_v.at[pl.ds(r, 1), pl.ds(cc, 16)][...] = jnp.zeros((1, 16), jnp.float32)

    @pl.loop(0, _RPS // _CHUNK)
    def _(k):
        pltpu.sync_copy(rows0_v, acc_sh.at[pl.ds(s * _RPS + k * _CHUNK, _CHUNK)])

    w = c * _NS + s
    pltpu.sync_copy(src_hbm.at[w, pl.ds(0, _HCHUNK)], sidx_v)
    pltpu.sync_copy(dst_hbm.at[w, pl.ds(0, _HCHUNK)], didx_v)
    plsc.subcore_barrier()

    bufs = ((rows0_v, sem0), (rows1_v, sem1))
    for h in range(2):
        if h:
            pltpu.sync_copy(src_hbm.at[w, pl.ds(h * _HCHUNK, _HCHUNK)], sidx_v)
            pltpu.sync_copy(dst_hbm.at[w, pl.ds(h * _HCHUNK, _HCHUNK)], didx_v)

        pltpu.async_copy(g_hbm.at[sidx_v.at[0]], rows0_v, sem0)
        pltpu.async_copy(g_hbm.at[sidx_v.at[1]], rows1_v, sem1)

        @pl.loop(0, _HCHUNK, step=2)
        def _(i):
            for b, (rows_v, sem) in enumerate(bufs):
                ci = i + b
                pltpu.make_async_copy(g_hbm.at[sidx_v.at[ci]], rows_v, sem).wait()
                pltpu.sync_copy(rows_v, acc_sh.at[didx_v.at[ci]], add=True)

                @pl.when(ci + 2 < _HCHUNK)
                def _():
                    pltpu.async_copy(g_hbm.at[sidx_v.at[ci + 2]], rows_v, sem)

    plsc.subcore_barrier()
    @pl.loop(0, _RPS // _CHUNK)
    def _(k):
        off = s * _RPS + k * _CHUNK
        pltpu.sync_copy(acc_sh.at[pl.ds(off, _CHUNK)], rows1_v)
        pltpu.sync_copy(rows1_v, out_hbm.at[c, pl.ds(off, _CHUNK)])


_BLK = 2000
_GRID = _N // _BLK


def _tc_prep_body(wc_ref, wm_ref, emb_ref, feat_ref, h_ref, dense_ref):
    wc = wc_ref[...]
    rs = jnp.sum(jnp.abs(wc), axis=1, keepdims=True)
    scale = jnp.where(rs > _KAPPA, _KAPPA / rs, 1.0)
    wproj = wc * scale
    h_ref[...] = jnp.dot(emb_ref[...], wproj.T,
                         preferred_element_type=jnp.float32,
                         precision=lax.Precision.HIGHEST)
    dense_ref[...] = jnp.dot(feat_ref[...], wm_ref[...].T,
                             preferred_element_type=jnp.float32,
                             precision=lax.Precision.HIGHEST)


def _tc_prep(W_conv, W_mlp, emb, feat):
    return pl.pallas_call(
        _tc_prep_body,
        grid=(_GRID,),
        in_specs=[
            pl.BlockSpec((_D, _D), lambda i: (0, 0)),
            pl.BlockSpec((_D, _D), lambda i: (0, 0)),
            pl.BlockSpec((_BLK, _D), lambda i: (i, 0)),
            pl.BlockSpec((_BLK, _D), lambda i: (i, 0)),
        ],
        out_specs=[
            pl.BlockSpec((_BLK, _D), lambda i: (i, 0)),
            pl.BlockSpec((_BLK, _D), lambda i: (i, 0)),
        ],
        out_shape=[
            jax.ShapeDtypeStruct((_N, _D), jnp.float32),
            jax.ShapeDtypeStruct((_N, _D), jnp.float32),
        ],
    )(W_conv, W_mlp, emb, feat)


_BLKP = 2048
_GRIDP = _NP // _BLKP


def _tc_scale_body(h_ref, degp_ref, g_ref):
    rid = pl.program_id(0) * _BLKP + lax.broadcasted_iota(jnp.int32, (_BLKP, 1), 0)
    deg = degp_ref[0, :, 0:1] + degp_ref[1, :, 0:1] + 1.0
    g_ref[...] = jnp.where(rid < _N, h_ref[...] * lax.rsqrt(deg), 0.0)


def _tc_scale(h, degp):
    return pl.pallas_call(
        _tc_scale_body,
        grid=(_GRIDP,),
        in_specs=[
            pl.BlockSpec((_BLKP, _D), lambda i: (i, 0)),
            pl.BlockSpec((_NC, _BLKP, _D), lambda i: (0, i, 0)),
        ],
        out_specs=pl.BlockSpec((_BLKP, _D), lambda i: (i, 0)),
        out_shape=jax.ShapeDtypeStruct((_NP, _D), jnp.float32),
    )(h, degp)


def _tc_final_body(p_ref, g_ref, dense_ref, degp_ref, o_ref):
    deg = degp_ref[0, :, 0:1] + degp_ref[1, :, 0:1] + 1.0
    dinv = lax.rsqrt(deg)
    acc = p_ref[0] + p_ref[1] + g_ref[...]
    o_ref[...] = jnp.maximum(acc * dinv + dense_ref[...], 0.0)


def _tc_final(parts, g, dense, degp):
    return pl.pallas_call(
        _tc_final_body,
        grid=(_GRID,),
        in_specs=[
            pl.BlockSpec((_NC, _BLK, _D), lambda i: (0, i, 0)),
            pl.BlockSpec((_BLK, _D), lambda i: (i, 0)),
            pl.BlockSpec((_BLK, _D), lambda i: (i, 0)),
            pl.BlockSpec((_NC, _BLK, _D), lambda i: (0, i, 0)),
        ],
        out_specs=pl.BlockSpec((_BLK, _D), lambda i: (i, 0)),
        out_shape=jax.ShapeDtypeStruct((_N, _D), jnp.float32),
    )(parts, g, dense, degp)


def kernel(features, sparse_adj, W_conv, W_mlp, embeddings):
    eprw = _E // _NW
    nprw = _EPW - eprw
    padrow = (jnp.arange(nprw, dtype=sparse_adj.dtype) % (_NP - _N)) + _N
    pad = jnp.broadcast_to(padrow, (_NW, nprw))
    src = jnp.concatenate([sparse_adj[0].reshape(_NW, eprw), pad], axis=1)
    dst = jnp.concatenate([sparse_adj[1].reshape(_NW, eprw), pad], axis=1)
    src = src.reshape(_NW, _NCHUNK, _CHUNK)
    dst = dst.reshape(_NW, _NCHUNK, _CHUNK)
    degp = _sc_degree(dst)
    h, dense = _tc_prep(W_conv, W_mlp, embeddings, features)
    g = _tc_scale(h, degp)
    parts = _sc_messages(g, src, dst)
    return _tc_final(parts, g, dense, degp)

# --- scband reference (transcript-rebuilt; emitter-appended) ---
"""Pipeline reference for scband-soft-ignn-30064771072228 (READ-ONLY COPY).

The authoritative reference and input builder live on the scoring server;
editing this copy changes nothing except your own understanding.
"""

import jax, jax.numpy as jnp
import numpy as np

N = 10000
E = 320000
D_IN = 128
D_OUT = 128
KAPPA = 0.95


def projection_norm_inf(A, kappa=0.95):
    # Standard IGNN inf-norm projection: rescale rows whose abs row-sum exceeds kappa.
    row_sum = jnp.abs(A).sum(axis=1)
    scale = jnp.where(row_sum > kappa, kappa / row_sum, 1.0)
    return A * scale[:, None]


def setup_inputs(seed: int = 0) -> dict:
    key = jax.random.key(seed)
    ks = jax.random.split(key, 5)
    features = jax.random.normal(ks[0], (N, D_IN), dtype=jnp.float32)
    sparse_adj = jax.random.randint(ks[1], (2, E), 0, N, dtype=jnp.int32)
    # learned parameters (xavier-ish scale)
    W_conv = jax.random.normal(ks[2], (D_OUT, D_OUT), dtype=jnp.float32) * (1.0 / np.sqrt(D_OUT))
    W_mlp = jax.random.normal(ks[3], (D_OUT, D_IN), dtype=jnp.float32) * (1.0 / np.sqrt(D_IN))
    embeddings = 0.01 * jax.random.uniform(ks[4], (N, D_OUT), dtype=jnp.float32)
    return {"features": features, "sparse_adj": sparse_adj, "W_conv": W_conv, "W_mlp": W_mlp, "embeddings": embeddings}


def _gcn_conv(x, src, dst, W):
    # GCNConv(normalize=True, bias=False): linear transform, add self-loops,
    # symmetric D^-1/2 (A+I) D^-1/2 aggregation via gather + scatter-add.
    h = x @ W.T
    loop = jnp.arange(N, dtype=src.dtype)
    src_full = jnp.concatenate([src, loop])
    dst_full = jnp.concatenate([dst, loop])
    deg = jnp.zeros((N,), dtype=h.dtype).at[dst_full].add(1.0)
    dinv = jnp.where(deg > 0, jax.lax.rsqrt(deg), 0.0)
    norm = dinv[src_full] * dinv[dst_full]
    msg = h[src_full] * norm[:, None]
    out = jnp.zeros((N, h.shape[1]), dtype=h.dtype).at[dst_full].add(msg)
    return out


def reference(features, sparse_adj, W_conv, W_mlp, embeddings):
    # SoftIGNN.forward: project conv weights (inf-norm), then one baseIGNN layer:
    # x = GCNConv(embeddings, edge_index) + Linear(features); x = relu(x)
    W_proj = projection_norm_inf(W_conv, KAPPA)
    src = sparse_adj[0]
    dst = sparse_adj[1]
    x = _gcn_conv(embeddings, src, dst, W_proj)
    x = x + features @ W_mlp.T
    x = jax.nn.relu(x)
    return x

if __name__ == "__main__":
    import jax
    _d = setup_inputs()
    print(jax.jit(kernel)(*tuple(_d.values())))

</pallas_src>

<mosaic_0001>
#map = affine_map<(d0, d1) -> (0, 0, 0)>
module attributes {stable_mosaic.version = 14 : i64} {
  func.func @_sc_degree(%arg0: i32, %arg1: i32, %arg2: memref<32x80x128xi32, #tpu.memory_space<hbm>>, %arg3: memref<2x10240x128xf32, #tpu.memory_space<hbm>>, %arg4: memref<80x128xi32, #tpu.memory_space<vmem>>, %arg5: memref<128x128xf32, #tpu.memory_space<vmem>>, %arg6: memref<10240x128xf32, #tpu.memory_space<vmem_shared>>) attributes {dimension_semantics = [#tpu.dimension_semantics<core_parallel>, #tpu.dimension_semantics<subcore_parallel>], iteration_bounds = array<i64: 2, 16>, scalar_prefetch = 0 : i64, scratch_operands = 3 : i64, tpu.core_type = #tpu.core_type<sc_vector_subcore>, window_params = [{transform_indices = #map}, {transform_indices = #map}]} {
    %scan3A = arith.constant 0 : i32
    %scan3A_0 = arith.constant 128 : i32
    %scan3A_1 = arith.addi %scan3A, %scan3A_0 : i32
    %scan3A_2 = arith.constant 1 : i32
    scf.for %scan3A_26 = %scan3A to %scan3A_1 step %scan3A_2  : i32 {
      %mul3A_27 = arith.constant 1 : i32
      %mul3A_28 = arith.muli %scan3A_26, %mul3A_27 : i32
      %add3A_29 = arith.constant 0 : i32
      %add3A_30 = arith.addi %add3A_29, %mul3A_28 : i32
      %scan3A_31 = arith.constant 0 : i32
      %scan3A_32 = arith.constant 8 : i32
      %scan3A_33 = arith.addi %scan3A_31, %scan3A_32 : i32
      %scan3A_34 = arith.constant 1 : i32
      scf.for %scan3A_36 = %scan3A_31 to %scan3A_33 step %scan3A_34  : i32 {
        %mul3A_37 = arith.constant 16 : i32
        %mul3A_38 = arith.muli %scan3A_36, %mul3A_37 : i32
        %add3A_39 = arith.constant 0 : i32
        %add3A_40 = arith.addi %add3A_39, %mul3A_38 : i32
        %broadcast_in_dim3A = arith.constant 0.000000e+00 : f32
        %broadcast_in_dim3A_41 = vector.broadcast %broadcast_in_dim3A : f32 to vector<1x16xf32>
        %swap3A = arith.index_cast %add3A_30 : i32 to index
        %swap3A_42 = arith.index_cast %add3A_40 : i32 to index
        %swap3A_43 = tpu.vector_load %arg5[%swap3A, %swap3A_42] {strides = array<i32>} : memref<128x128xf32, #tpu.memory_space<vmem>>, vector<1x16xf32>,
        %swap3A_44 = vector.shape_cast %swap3A_43 : vector<1x16xf32> to vector<1x16xf32>
        %swap3A_45 = vector.shape_cast %broadcast_in_dim3A_41 : vector<1x16xf32> to vector<1x16xf32>
        tpu.vector_store %arg5[%swap3A, %swap3A_42], %swap3A_45 {strides = array<i32>} : memref<128x128xf32, #tpu.memory_space<vmem>>, vector<1x16xf32>,
      }
      %scan3A_35 = arith.constant 8 : i32
    }
    %scan3A_3 = arith.constant 128 : i32
    %scan3A_4 = arith.constant 0 : i32
    %scan3A_5 = arith.constant 5 : i32
    %scan3A_6 = arith.addi %scan3A_4, %scan3A_5 : i32
    %scan3A_7 = arith.constant 1 : i32
    scf.for %scan3A_26 = %scan3A_4 to %scan3A_6 step %scan3A_7  : i32 {
      %mul3A_27 = arith.constant 1 : i32
      %mul3A_28 = arith.muli %scan3A_26, %mul3A_27 : i32
      %add3A_29 = arith.constant 0 : i32
      %add3A_30 = arith.addi %add3A_29, %mul3A_28 : i32
      %mul3A_31 = arith.constant 640 : i32
      %mul3A_32 = arith.muli %arg1, %mul3A_31 : i32
      %mul3A_33 = arith.constant 128 : i32
      %mul3A_34 = arith.muli %add3A_30, %mul3A_33 : i32
      %add3A_35 = arith.addi %mul3A_32, %mul3A_34 : i32
      "tpu.region"() ({
        %run_scoped3A = tpu.sem_alloc : memref<!tpu.dma_semaphore, #tpu.memory_space<semaphore_mem>>
        %dma_start3A = arith.constant 0 : i32
        %dma_start3A_36 = tpu.memref_slice %arg6[%add3A_35, %dma_start3A] : memref<10240x128xf32, #tpu.memory_space<vmem_shared>> -> memref<128x128xf32, #tpu.memory_space<vmem_shared>>
        %dma_start3A_37 = arith.constant 0 : i32
        %dma_start3A_38 = tpu.memref_slice %arg6[%add3A_35, %dma_start3A_37] : memref<10240x128xf32, #tpu.memory_space<vmem_shared>> -> memref<128x128xf32, #tpu.memory_space<vmem_shared>>
        tpu.enqueue_dma source(%arg5 : memref<128x128xf32, #tpu.memory_space<vmem>>) target(%dma_start3A_38 : memref<128x128xf32, #tpu.memory_space<vmem_shared>>) target_semaphore(%run_scoped3A : memref<!tpu.dma_semaphore, #tpu.memory_space<semaphore_mem>>)
        %dma_wait3A = arith.constant 0 : i32
        %dma_wait3A_39 = tpu.memref_slice %arg6[%add3A_35, %dma_wait3A] : memref<10240x128xf32, #tpu.memory_space<vmem_shared>> -> memref<128x128xf32, #tpu.memory_space<vmem_shared>>
        %dma_wait3A_40 = arith.constant 0 : i32
        %dma_wait3A_41 = tpu.memref_slice %arg6[%add3A_35, %dma_wait3A_40] : memref<10240x128xf32, #tpu.memory_space<vmem_shared>> -> memref<128x128xf32, #tpu.memory_space<vmem_shared>>
        tpu.wait_dma2 semaphore(%run_scoped3A : memref<!tpu.dma_semaphore, #tpu.memory_space<semaphore_mem>>) src(%arg5 : memref<128x128xf32, #tpu.memory_space<vmem>>) dst(%dma_wait3A_41 : memref<128x128xf32, #tpu.memory_space<vmem_shared>>)
        tpu.yield
      }) : () -> ()
    }
    %scan3A_8 = arith.constant 5 : i32
    %scan3A_9 = arith.constant 0 : i32
    %scan3A_10 = arith.constant 128 : i32
    %scan3A_11 = arith.addi %scan3A_9, %scan3A_10 : i32
    %scan3A_12 = arith.constant 1 : i32
    scf.for %scan3A_26 = %scan3A_9 to %scan3A_11 step %scan3A_12  : i32 {
      %mul3A_27 = arith.constant 1 : i32
      %mul3A_28 = arith.muli %scan3A_26, %mul3A_27 : i32
      %add3A_29 = arith.constant 0 : i32
      %add3A_30 = arith.addi %add3A_29, %mul3A_28 : i32
      %scan3A_31 = arith.constant 0 : i32
      %scan3A_32 = arith.constant 8 : i32
      %scan3A_33 = arith.addi %scan3A_31, %scan3A_32 : i32
      %scan3A_34 = arith.constant 1 : i32
      scf.for %scan3A_36 = %scan3A_31 to %scan3A_33 step %scan3A_34  : i32 {
        %mul3A_37 = arith.constant 16 : i32
        %mul3A_38 = arith.muli %scan3A_36, %mul3A_37 : i32
        %add3A_39 = arith.constant 0 : i32
        %add3A_40 = arith.addi %add3A_39, %mul3A_38 : i32
        %broadcast_in_dim3A = arith.constant 1.000000e+00 : f32
        %broadcast_in_dim3A_41 = vector.broadcast %broadcast_in_dim3A : f32 to vector<1x16xf32>
        %swap3A = arith.index_cast %add3A_30 : i32 to index
        %swap3A_42 = arith.index_cast %add3A_40 : i32 to index
        %swap3A_43 = tpu.vector_load %arg5[%swap3A, %swap3A_42] {strides = array<i32>} : memref<128x128xf32, #tpu.memory_space<vmem>>, vector<1x16xf32>,
        %swap3A_44 = vector.shape_cast %swap3A_43 : vector<1x16xf32> to vector<1x16xf32>
        %swap3A_45 = vector.shape_cast %broadcast_in_dim3A_41 : vector<1x16xf32> to vector<1x16xf32>
        tpu.vector_store %arg5[%swap3A, %swap3A_42], %swap3A_45 {strides = array<i32>} : memref<128x128xf32, #tpu.memory_space<vmem>>, vector<1x16xf32>,
      }
      %scan3A_35 = arith.constant 8 : i32
    }
    %scan3A_13 = arith.constant 128 : i32
    %mul3A = arith.constant 16 : i32
    %mul3A_14 = arith.muli %arg0, %mul3A : i32
    %add3A = arith.addi %mul3A_14, %arg1 : i32
    "tpu.region"() ({
      %run_scoped3A = tpu.sem_alloc : memref<!tpu.dma_semaphore, #tpu.memory_space<semaphore_mem>>
      %dma_start3A = arith.constant 0 : i32
      %dma_start3A_26 = arith.constant 0 : i32
      %dma_start3A_27 = tpu.memref_slice %arg2[%add3A, %dma_start3A, %dma_start3A_26] : memref<32x80x128xi32, #tpu.memory_space<hbm>> -> memref<1x80x128xi32, #tpu.memory_space<hbm>>
      %dma_start3A_28 = tpu.memref_squeeze %dma_start3A_27 : memref<1x80x128xi32, #tpu.memory_space<hbm>> -> memref<80x128xi32, #tpu.memory_space<hbm>>
      %dma_start3A_29 = arith.constant 0 : i32
      %dma_start3A_30 = arith.constant 0 : i32
      %dma_start3A_31 = tpu.memref_slice %arg2[%add3A, %dma_start3A_29, %dma_start3A_30] : memref<32x80x128xi32, #tpu.memory_space<hbm>> -> memref<1x80x128xi32, #tpu.memory_space<hbm>>
      %dma_start3A_32 = tpu.memref_squeeze %dma_start3A_31 : memref<1x80x128xi32, #tpu.memory_space<hbm>> -> memref<80x128xi32, #tpu.memory_space<hbm>>
      tpu.enqueue_dma source(%dma_start3A_32 : memref<80x128xi32, #tpu.memory_space<hbm>>) target(%arg4 : memref<80x128xi32, #tpu.memory_space<vmem>>) target_semaphore(%run_scoped3A : memref<!tpu.dma_semaphore, #tpu.memory_space<semaphore_mem>>)
      %dma_wait3A = arith.constant 0 : i32
      %dma_wait3A_33 = arith.constant 0 : i32
      %dma_wait3A_34 = tpu.memref_slice %arg2[%add3A, %dma_wait3A, %dma_wait3A_33] : memref<32x80x128xi32, #tpu.memory_space<hbm>> -> memref<1x80x128xi32, #tpu.memory_space<hbm>>
      %dma_wait3A_35 = tpu.memref_squeeze %dma_wait3A_34 : memref<1x80x128xi32, #tpu.memory_space<hbm>> -> memref<80x128xi32, #tpu.memory_space<hbm>>
      %dma_wait3A_36 = arith.constant 0 : i32
      %dma_wait3A_37 = arith.constant 0 : i32
      %dma_wait3A_38 = tpu.memref_slice %arg2[%add3A, %dma_wait3A_36, %dma_wait3A_37] : memref<32x80x128xi32, #tpu.memory_space<hbm>> -> memref<1x80x128xi32, #tpu.memory_space<hbm>>
      %dma_wait3A_39 = tpu.memref_squeeze %dma_wait3A_38 : memref<1x80x128xi32, #tpu.memory_space<hbm>> -> memref<80x128xi32, #tpu.memory_space<hbm>>
      tpu.wait_dma2 semaphore(%run_scoped3A : memref<!tpu.dma_semaphore, #tpu.memory_space<semaphore_mem>>) src(%dma_wait3A_39 : memref<80x128xi32, #tpu.memory_space<hbm>>) dst(%arg4 : memref<80x128xi32, #tpu.memory_space<vmem>>)
      tpu.yield
    }) : () -> ()
    %barrier3A = arith.constant 0 : index
    tpu.barrier barrier_id(%barrier3A)
    %scan3A_15 = arith.constant 0 : i32
    %scan3A_16 = arith.constant 80 : i32
    %scan3A_17 = arith.addi %scan3A_15, %scan3A_16 : i32
    %scan3A_18 = arith.constant 1 : i32
    scf.for %scan3A_26 = %scan3A_15 to %scan3A_17 step %scan3A_18  : i32 {
      %mul3A_27 = arith.constant 1 : i32
      %mul3A_28 = arith.muli %scan3A_26, %mul3A_27 : i32
      %add3A_29 = arith.constant 0 : i32
      %add3A_30 = arith.addi %add3A_29, %mul3A_28 : i32
      "tpu.region"() ({
        %run_scoped3A = tpu.sem_alloc : memref<!tpu.dma_semaphore, #tpu.memory_space<semaphore_mem>>
        %dma_start3A = arith.constant 0 : i32
        %dma_start3A_31 = tpu.memref_slice %arg4[%add3A_30, %dma_start3A] : memref<80x128xi32, #tpu.memory_space<vmem>> -> memref<1x128xi32, #tpu.memory_space<vmem>>
        %dma_start3A_32 = tpu.memref_squeeze %dma_start3A_31 : memref<1x128xi32, #tpu.memory_space<vmem>> -> memref<128xi32, #tpu.memory_space<vmem>>
        %dma_start3A_33 = arith.constant 0 : i32
        %dma_start3A_34 = arith.constant 0 : i32
        %dma_start3A_35 = tpu.memref_slice %arg6[%dma_start3A_33, %dma_start3A_34] : memref<10240x128xf32, #tpu.memory_space<vmem_shared>> -> memref<10240x128xf32, #tpu.memory_space<vmem_shared>>
        tpu.enqueue_indirect_dma source(%arg5 : memref<128x128xf32, #tpu.memory_space<vmem>>) target(%dma_start3A_35 : memref<10240x128xf32, #tpu.memory_space<vmem_shared>>) offsets(%dma_start3A_32 : memref<128xi32, #tpu.memory_space<vmem>>) semaphore(%run_scoped3A : memref<!tpu.dma_semaphore, #tpu.memory_space<semaphore_mem>>) {add = true}
        %dma_wait3A = arith.constant 0 : i32
        %dma_wait3A_36 = tpu.memref_slice %arg4[%add3A_30, %dma_wait3A] : memref<80x128xi32, #tpu.memory_space<vmem>> -> memref<1x128xi32, #tpu.memory_space<vmem>>
        %dma_wait3A_37 = tpu.memref_squeeze %dma_wait3A_36 : memref<1x128xi32, #tpu.memory_space<vmem>> -> memref<128xi32, #tpu.memory_space<vmem>>
        %dma_wait3A_38 = arith.constant 0 : i32
        %dma_wait3A_39 = arith.constant 0 : i32
        %dma_wait3A_40 = tpu.memref_slice %arg6[%dma_wait3A_38, %dma_wait3A_39] : memref<10240x128xf32, #tpu.memory_space<vmem_shared>> -> memref<10240x128xf32, #tpu.memory_space<vmem_shared>>
        tpu.wait_indirect_dma semaphore(%run_scoped3A : memref<!tpu.dma_semaphore, #tpu.memory_space<semaphore_mem>>) src(%arg5 : memref<128x128xf32, #tpu.memory_space<vmem>>) dst(%dma_wait3A_40 : memref<10240x128xf32, #tpu.memory_space<vmem_shared>>)
        tpu.yield
      }) : () -> ()
    }
    %scan3A_19 = arith.constant 80 : i32
    %barrier3A_20 = arith.constant 0 : index
    tpu.barrier barrier_id(%barrier3A_20)
    %scan3A_21 = arith.constant 0 : i32
    %scan3A_22 = arith.constant 5 : i32
    %scan3A_23 = arith.addi %scan3A_21, %scan3A_22 : i32
    %scan3A_24 = arith.constant 1 : i32
    scf.for %scan3A_26 = %scan3A_21 to %scan3A_23 step %scan3A_24  : i32 {
      %mul3A_27 = arith.constant 1 : i32
      %mul3A_28 = arith.muli %scan3A_26, %mul3A_27 : i32
      %add3A_29 = arith.constant 0 : i32
      %add3A_30 = arith.addi %add3A_29, %mul3A_28 : i32
      %mul3A_31 = arith.constant 640 : i32
      %mul3A_32 = arith.muli %arg1, %mul3A_31 : i32
      %mul3A_33 = arith.constant 128 : i32
      %mul3A_34 = arith.muli %add3A_30, %mul3A_33 : i32
      %add3A_35 = arith.addi %mul3A_32, %mul3A_34 : i32
      "tpu.region"() ({
        %run_scoped3A = tpu.sem_alloc : memref<!tpu.dma_semaphore, #tpu.memory_space<semaphore_mem>>
        %dma_start3A = arith.constant 0 : i32
        %dma_start3A_36 = tpu.memref_slice %arg6[%add3A_35, %dma_start3A] : memref<10240x128xf32, #tpu.memory_space<vmem_shared>> -> memref<128x128xf32, #tpu.memory_space<vmem_shared>>
        %dma_start3A_37 = arith.constant 0 : i32
        %dma_start3A_38 = tpu.memref_slice %arg6[%add3A_35, %dma_start3A_37] : memref<10240x128xf32, #tpu.memory_space<vmem_shared>> -> memref<128x128xf32, #tpu.memory_space<vmem_shared>>
        tpu.enqueue_dma source(%dma_start3A_38 : memref<128x128xf32, #tpu.memory_space<vmem_shared>>) target(%arg5 : memref<128x128xf32, #tpu.memory_space<vmem>>) target_semaphore(%run_scoped3A : memref<!tpu.dma_semaphore, #tpu.memory_space<semaphore_mem>>)
        %dma_wait3A = arith.constant 0 : i32
        %dma_wait3A_39 = tpu.memref_slice %arg6[%add3A_35, %dma_wait3A] : memref<10240x128xf32, #tpu.memory_space<vmem_shared>> -> memref<128x128xf32, #tpu.memory_space<vmem_shared>>
        %dma_wait3A_40 = arith.constant 0 : i32
        %dma_wait3A_41 = tpu.memref_slice %arg6[%add3A_35, %dma_wait3A_40] : memref<10240x128xf32, #tpu.memory_space<vmem_shared>> -> memref<128x128xf32, #tpu.memory_space<vmem_shared>>
        tpu.wait_dma2 semaphore(%run_scoped3A : memref<!tpu.dma_semaphore, #tpu.memory_space<semaphore_mem>>) src(%dma_wait3A_41 : memref<128x128xf32, #tpu.memory_space<vmem_shared>>) dst(%arg5 : memref<128x128xf32, #tpu.memory_space<vmem>>)
        tpu.yield
      }) : () -> ()
      "tpu.region"() ({
        %run_scoped3A = tpu.sem_alloc : memref<!tpu.dma_semaphore, #tpu.memory_space<semaphore_mem>>
        %dma_start3A = arith.constant 0 : i32
        %dma_start3A_36 = tpu.memref_slice %arg3[%arg0, %add3A_35, %dma_start3A] : memref<2x10240x128xf32, #tpu.memory_space<hbm>> -> memref<1x128x128xf32, #tpu.memory_space<hbm>>
        %dma_start3A_37 = tpu.memref_squeeze %dma_start3A_36 : memref<1x128x128xf32, #tpu.memory_space<hbm>> -> memref<128x128xf32, #tpu.memory_space<hbm>>
        %dma_start3A_38 = arith.constant 0 : i32
        %dma_start3A_39 = tpu.memref_slice %arg3[%arg0, %add3A_35, %dma_start3A_38] : memref<2x10240x128xf32, #tpu.memory_space<hbm>> -> memref<1x128x128xf32, #tpu.memory_space<hbm>>
        %dma_start3A_40 = tpu.memref_squeeze %dma_start3A_39 : memref<1x128x128xf32, #tpu.memory_space<hbm>> -> memref<128x128xf32, #tpu.memory_space<hbm>>
        tpu.enqueue_dma source(%arg5 : memref<128x128xf32, #tpu.memory_space<vmem>>) target(%dma_start3A_40 : memref<128x128xf32, #tpu.memory_space<hbm>>) target_semaphore(%run_scoped3A : memref<!tpu.dma_semaphore, #tpu.memory_space<semaphore_mem>>)
        %dma_wait3A = arith.constant 0 : i32
        %dma_wait3A_41 = tpu.memref_slice %arg3[%arg0, %add3A_35, %dma_wait3A] : memref<2x10240x128xf32, #tpu.memory_space<hbm>> -> memref<1x128x128xf32, #tpu.memory_space<hbm>>
        %dma_wait3A_42 = tpu.memref_squeeze %dma_wait3A_41 : memref<1x128x128xf32, #tpu.memory_space<hbm>> -> memref<128x128xf32, #tpu.memory_space<hbm>>
        %dma_wait3A_43 = arith.constant 0 : i32
        %dma_wait3A_44 = tpu.memref_slice %arg3[%arg0, %add3A_35, %dma_wait3A_43] : memref<2x10240x128xf32, #tpu.memory_space<hbm>> -> memref<1x128x128xf32, #tpu.memory_space<hbm>>
        %dma_wait3A_45 = tpu.memref_squeeze %dma_wait3A_44 : memref<1x128x128xf32, #tpu.memory_space<hbm>> -> memref<128x128xf32, #tpu.memory_space<hbm>>
        tpu.wait_dma2 semaphore(%run_scoped3A : memref<!tpu.dma_semaphore, #tpu.memory_space<semaphore_mem>>) src(%arg5 : memref<128x128xf32, #tpu.memory_space<vmem>>) dst(%dma_wait3A_45 : memref<128x128xf32, #tpu.memory_space<hbm>>)
        tpu.yield
      }) : () -> ()
    }
    %scan3A_25 = arith.constant 5 : i32
    return
  }
}

#map = affine_map<(d0, d1) -> (0, 0)>
#map1 = affine_map<(d0, d1) -> (0, 0, 0)>
module attributes {stable_mosaic.version = 14 : i64} {
  func.func @_sc_messages(%arg0: i32, %arg1: i32, %arg2: memref<10240x128xf32, #tpu.memory_space<hbm>>, %arg3: memref<32x80x128xi32, #tpu.memory_space<hbm>>, %arg4: memref<32x80x128xi32, #tpu.memory_space<hbm>>, %arg5: memref<2x10240x128xf32, #tpu.memory_space<hbm>>, %arg6: memref<40x128xi32, #tpu.memory_space<vmem>>, %arg7: memref<40x128xi32, #tpu.memory_space<vmem>>, %arg8: memref<128x128xf32, #tpu.memory_space<vmem>>, %arg9: memref<128x128xf32, #tpu.memory_space<vmem>>, %arg10: memref<10240x128xf32, #tpu.memory_space<vmem_shared>>, %arg11: memref<!tpu.dma_semaphore, #tpu.memory_space<semaphore_mem>>, %arg12: memref<!tpu.dma_semaphore, #tpu.memory_space<semaphore_mem>>) attributes {dimension_semantics = [#tpu.dimension_semantics<core_parallel>, #tpu.dimension_semantics<subcore_parallel>], iteration_bounds = array<i64: 2, 16>, scalar_prefetch = 0 : i64, scratch_operands = 7 : i64, tpu.core_type = #tpu.core_type<sc_vector_subcore>, window_params = [{transform_indices = #map}, {transform_indices = #map1}, {transform_indices = #map1}, {transform_indices = #map1}]} {
    %scan3A = arith.constant 0 : i32
    %scan3A_0 = arith.constant 128 : i32
    %scan3A_1 = arith.addi %scan3A, %scan3A_0 : i32
    %scan3A_2 = arith.constant 1 : i32
    scf.for %scan3A_53 = %scan3A to %scan3A_1 step %scan3A_2  : i32 {
      %mul3A_54 = arith.constant 1 : i32
      %mul3A_55 = arith.muli %scan3A_53, %mul3A_54 : i32
      %add3A_56 = arith.constant 0 : i32
      %add3A_57 = arith.addi %add3A_56, %mul3A_55 : i32
      %scan3A_58 = arith.constant 0 : i32
      %scan3A_59 = arith.constant 8 : i32
      %scan3A_60 = arith.addi %scan3A_58, %scan3A_59 : i32
      %scan3A_61 = arith.constant 1 : i32
      scf.for %scan3A_63 = %scan3A_58 to %scan3A_60 step %scan3A_61  : i32 {
        %mul3A_64 = arith.constant 16 : i32
        %mul3A_65 = arith.muli %scan3A_63, %mul3A_64 : i32
        %add3A_66 = arith.constant 0 : i32
        %add3A_67 = arith.addi %add3A_66, %mul3A_65 : i32
        %broadcast_in_dim3A = arith.constant 0.000000e+00 : f32
        %broadcast_in_dim3A_68 = vector.broadcast %broadcast_in_dim3A : f32 to vector<1x16xf32>
        %swap3A = arith.index_cast %add3A_57 : i32 to index
        %swap3A_69 = arith.index_cast %add3A_67 : i32 to index
        %swap3A_70 = tpu.vector_load %arg8[%swap3A, %swap3A_69] {strides = array<i32>} : memref<128x128xf32, #tpu.memory_space<vmem>>, vector<1x16xf32>,
        %swap3A_71 = vector.shape_cast %swap3A_70 : vector<1x16xf32> to vector<1x16xf32>
        %swap3A_72 = vector.shape_cast %broadcast_in_dim3A_68 : vector<1x16xf32> to vector<1x16xf32>
        tpu.vector_store %arg8[%swap3A, %swap3A_69], %swap3A_72 {strides = array<i32>} : memref<128x128xf32, #tpu.memory_space<vmem>>, vector<1x16xf32>,
      }
      %scan3A_62 = arith.constant 8 : i32
    }
    %scan3A_3 = arith.constant 128 : i32
    %scan3A_4 = arith.constant 0 : i32
    %scan3A_5 = arith.constant 5 : i32
    %scan3A_6 = arith.addi %scan3A_4, %scan3A_5 : i32
    %scan3A_7 = arith.constant 1 : i32
    scf.for %scan3A_53 = %scan3A_4 to %scan3A_6 step %scan3A_7  : i32 {
      %mul3A_54 = arith.constant 1 : i32
      %mul3A_55 = arith.muli %scan3A_53, %mul3A_54 : i32
      %add3A_56 = arith.constant 0 : i32
      %add3A_57 = arith.addi %add3A_56, %mul3A_55 : i32
      %mul3A_58 = arith.constant 640 : i32
      %mul3A_59 = arith.muli %arg1, %mul3A_58 : i32
      %mul3A_60 = arith.constant 128 : i32
      %mul3A_61 = arith.muli %add3A_57, %mul3A_60 : i32
      %add3A_62 = arith.addi %mul3A_59, %mul3A_61 : i32
      "tpu.region"() ({
        %run_scoped3A = tpu.sem_alloc : memref<!tpu.dma_semaphore, #tpu.memory_space<semaphore_mem>>
        %dma_start3A_63 = arith.constant 0 : i32
        %dma_start3A_64 = tpu.memref_slice %arg10[%add3A_62, %dma_start3A_63] : memref<10240x128xf32, #tpu.memory_space<vmem_shared>> -> memref<128x128xf32, #tpu.memory_space<vmem_shared>>
        %dma_start3A_65 = arith.constant 0 : i32
        %dma_start3A_66 = tpu.memref_slice %arg10[%add3A_62, %dma_start3A_65] : memref<10240x128xf32, #tpu.memory_space<vmem_shared>> -> memref<128x128xf32, #tpu.memory_space<vmem_shared>>
        tpu.enqueue_dma source(%arg8 : memref<128x128xf32, #tpu.memory_space<vmem>>) target(%dma_start3A_66 : memref<128x128xf32, #tpu.memory_space<vmem_shared>>) target_semaphore(%run_scoped3A : memref<!tpu.dma_semaphore, #tpu.memory_space<semaphore_mem>>)
        %dma_wait3A = arith.constant 0 : i32
        %dma_wait3A_67 = tpu.memref_slice %arg10[%add3A_62, %dma_wait3A] : memref<10240x128xf32, #tpu.memory_space<vmem_shared>> -> memref<128x128xf32, #tpu.memory_space<vmem_shared>>
        %dma_wait3A_68 = arith.constant 0 : i32
        %dma_wait3A_69 = tpu.memref_slice %arg10[%add3A_62, %dma_wait3A_68] : memref<10240x128xf32, #tpu.memory_space<vmem_shared>> -> memref<128x128xf32, #tpu.memory_space<vmem_shared>>
        tpu.wait_dma2 semaphore(%run_scoped3A : memref<!tpu.dma_semaphore, #tpu.memory_space<semaphore_mem>>) src(%arg8 : memref<128x128xf32, #tpu.memory_space<vmem>>) dst(%dma_wait3A_69 : memref<128x128xf32, #tpu.memory_space<vmem_shared>>)
        tpu.yield
      }) : () -> ()
    }
    %scan3A_8 = arith.constant 5 : i32
    %mul3A = arith.constant 16 : i32
    %mul3A_9 = arith.muli %arg0, %mul3A : i32
    %add3A = arith.addi %mul3A_9, %arg1 : i32
    "tpu.region"() ({
      %run_scoped3A = tpu.sem_alloc : memref<!tpu.dma_semaphore, #tpu.memory_space<semaphore_mem>>
      %dma_start3A_53 = arith.constant 0 : i32
      %dma_start3A_54 = arith.constant 0 : i32
      %dma_start3A_55 = tpu.memref_slice %arg3[%add3A, %dma_start3A_53, %dma_start3A_54] : memref<32x80x128xi32, #tpu.memory_space<hbm>> -> memref<1x40x128xi32, #tpu.memory_space<hbm>>
      %dma_start3A_56 = tpu.memref_squeeze %dma_start3A_55 : memref<1x40x128xi32, #tpu.memory_space<hbm>> -> memref<40x128xi32, #tpu.memory_space<hbm>>
      %dma_start3A_57 = arith.constant 0 : i32
      %dma_start3A_58 = arith.constant 0 : i32
      %dma_start3A_59 = tpu.memref_slice %arg3[%add3A, %dma_start3A_57, %dma_start3A_58] : memref<32x80x128xi32, #tpu.memory_space<hbm>> -> memref<1x40x128xi32, #tpu.memory_space<hbm>>
      %dma_start3A_60 = tpu.memref_squeeze %dma_start3A_59 : memref<1x40x128xi32, #tpu.memory_space<hbm>> -> memref<40x128xi32, #tpu.memory_space<hbm>>
      tpu.enqueue_dma source(%dma_start3A_60 : memref<40x128xi32, #tpu.memory_space<hbm>>) target(%arg6 : memref<40x128xi32, #tpu.memory_space<vmem>>) target_semaphore(%run_scoped3A : memref<!tpu.dma_semaphore, #tpu.memory_space<semaphore_mem>>)
      %dma_wait3A = arith.constant 0 : i32
      %dma_wait3A_61 = arith.constant 0 : i32
      %dma_wait3A_62 = tpu.memref_slice %arg3[%add3A, %dma_wait3A, %dma_wait3A_61] : memref<32x80x128xi32, #tpu.memory_space<hbm>> -> memref<1x40x128xi32, #tpu.memory_space<hbm>>
      %dma_wait3A_63 = tpu.memref_squeeze %dma_wait3A_62 : memref<1x40x128xi32, #tpu.memory_space<hbm>> -> memref<40x128xi32, #tpu.memory_space<hbm>>
      %dma_wait3A_64 = arith.constant 0 : i32
      %dma_wait3A_65 = arith.constant 0 : i32
      %dma_wait3A_66 = tpu.memref_slice %arg3[%add3A, %dma_wait3A_64, %dma_wait3A_65] : memref<32x80x128xi32, #tpu.memory_space<hbm>> -> memref<1x40x128xi32, #tpu.memory_space<hbm>>
      %dma_wait3A_67 = tpu.memref_squeeze %dma_wait3A_66 : memref<1x40x128xi32, #tpu.memory_space<hbm>> -> memref<40x128xi32, #tpu.memory_space<hbm>>
      tpu.wait_dma2 semaphore(%run_scoped3A : memref<!tpu.dma_semaphore, #tpu.memory_space<semaphore_mem>>) src(%dma_wait3A_67 : memref<40x128xi32, #tpu.memory_space<hbm>>) dst(%arg6 : memref<40x128xi32, #tpu.memory_space<vmem>>)
      tpu.yield
    }) : () -> ()
    "tpu.region"() ({
      %run_scoped3A = tpu.sem_alloc : memref<!tpu.dma_semaphore, #tpu.memory_space<semaphore_mem>>
      %dma_start3A_53 = arith.constant 0 : i32
      %dma_start3A_54 = arith.constant 0 : i32
      %dma_start3A_55 = tpu.memref_slice %arg4[%add3A, %dma_start3A_53, %dma_start3A_54] : memref<32x80x128xi32, #tpu.memory_space<hbm>> -> memref<1x40x128xi32, #tpu.memory_space<hbm>>
      %dma_start3A_56 = tpu.memref_squeeze %dma_start3A_55 : memref<1x40x128xi32, #tpu.memory_space<hbm>> -> memref<40x128xi32, #tpu.memory_space<hbm>>
      %dma_start3A_57 = arith.constant 0 : i32
      %dma_start3A_58 = arith.constant 0 : i32
      %dma_start3A_59 = tpu.memref_slice %arg4[%add3A, %dma_start3A_57, %dma_start3A_58] : memref<32x80x128xi32, #tpu.memory_space<hbm>> -> memref<1x40x128xi32, #tpu.memory_space<hbm>>
      %dma_start3A_60 = tpu.memref_squeeze %dma_start3A_59 : memref<1x40x128xi32, #tpu.memory_space<hbm>> -> memref<40x128xi32, #tpu.memory_space<hbm>>
      tpu.enqueue_dma source(%dma_start3A_60 : memref<40x128xi32, #tpu.memory_space<hbm>>) target(%arg7 : memref<40x128xi32, #tpu.memory_space<vmem>>) target_semaphore(%run_scoped3A : memref<!tpu.dma_semaphore, #tpu.memory_space<semaphore_mem>>)
      %dma_wait3A = arith.constant 0 : i32
      %dma_wait3A_61 = arith.constant 0 : i32
      %dma_wait3A_62 = tpu.memref_slice %arg4[%add3A, %dma_wait3A, %dma_wait3A_61] : memref<32x80x128xi32, #tpu.memory_space<hbm>> -> memref<1x40x128xi32, #tpu.memory_space<hbm>>
      %dma_wait3A_63 = tpu.memref_squeeze %dma_wait3A_62 : memref<1x40x128xi32, #tpu.memory_space<hbm>> -> memref<40x128xi32, #tpu.memory_space<hbm>>
      %dma_wait3A_64 = arith.constant 0 : i32
      %dma_wait3A_65 = arith.constant 0 : i32
      %dma_wait3A_66 = tpu.memref_slice %arg4[%add3A, %dma_wait3A_64, %dma_wait3A_65] : memref<32x80x128xi32, #tpu.memory_space<hbm>> -> memref<1x40x128xi32, #tpu.memory_space<hbm>>
      %dma_wait3A_67 = tpu.memref_squeeze %dma_wait3A_66 : memref<1x40x128xi32, #tpu.memory_space<hbm>> -> memref<40x128xi32, #tpu.memory_space<hbm>>
      tpu.wait_dma2 semaphore(%run_scoped3A : memref<!tpu.dma_semaphore, #tpu.memory_space<semaphore_mem>>) src(%dma_wait3A_67 : memref<40x128xi32, #tpu.memory_space<hbm>>) dst(%arg7 : memref<40x128xi32, #tpu.memory_space<vmem>>)
      tpu.yield
    }) : () -> ()
    %barrier3A = arith.constant 0 : index
    tpu.barrier barrier_id(%barrier3A)
    %dma_start3A = arith.constant 0 : i32
    %dma_start3A_10 = arith.constant 0 : i32
    %dma_start3A_11 = tpu.memref_slice %arg6[%dma_start3A, %dma_start3A_10] : memref<40x128xi32, #tpu.memory_space<vmem>> -> memref<1x128xi32, #tpu.memory_space<vmem>>
    %dma_start3A_12 = tpu.memref_squeeze %dma_start3A_11 : memref<1x128xi32, #tpu.memory_space<vmem>> -> memref<128xi32, #tpu.memory_space<vmem>>
    %dma_start3A_13 = arith.constant 0 : i32
    %dma_start3A_14 = arith.constant 0 : i32
    %dma_start3A_15 = tpu.memref_slice %arg2[%dma_start3A_13, %dma_start3A_14] : memref<10240x128xf32, #tpu.memory_space<hbm>> -> memref<10240x128xf32, #tpu.memory_space<hbm>>
    tpu.enqueue_indirect_dma source(%dma_start3A_15 : memref<10240x128xf32, #tpu.memory_space<hbm>>) target(%arg8 : memref<128x128xf32, #tpu.memory_space<vmem>>) offsets(%dma_start3A_12 : memref<128xi32, #tpu.memory_space<vmem>>) semaphore(%arg11 : memref<!tpu.dma_semaphore, #tpu.memory_space<semaphore_mem>>)
    %dma_start3A_16 = arith.constant 1 : i32
    %dma_start3A_17 = arith.constant 0 : i32
    %dma_start3A_18 = tpu.memref_slice %arg6[%dma_start3A_16, %dma_start3A_17] : memref<40x128xi32, #tpu.memory_space<vmem>> -> memref<1x128xi32, #tpu.memory_space<vmem>>
    %dma_start3A_19 = tpu.memref_squeeze %dma_start3A_18 : memref<1x128xi32, #tpu.memory_space<vmem>> -> memref<128xi32, #tpu.memory_space<vmem>>
    %dma_start3A_20 = arith.constant 0 : i32
    %dma_start3A_21 = arith.constant 0 : i32
    %dma_start3A_22 = tpu.memref_slice %arg2[%dma_start3A_20, %dma_start3A_21] : memref<10240x128xf32, #tpu.memory_space<hbm>> -> memref<10240x128xf32, #tpu.memory_space<hbm>>
    tpu.enqueue_indirect_dma source(%dma_start3A_22 : memref<10240x128xf32, #tpu.memory_space<hbm>>) target(%arg9 : memref<128x128xf32, #tpu.memory_space<vmem>>) offsets(%dma_start3A_19 : memref<128xi32, #tpu.memory_space<vmem>>) semaphore(%arg12 : memref<!tpu.dma_semaphore, #tpu.memory_space<semaphore_mem>>)
    %scan3A_23 = arith.constant 0 : i32
    %scan3A_24 = arith.constant 20 : i32
    %scan3A_25 = arith.addi %scan3A_23, %scan3A_24 : i32
    %scan3A_26 = arith.constant 1 : i32
    scf.for %scan3A_53 = %scan3A_23 to %scan3A_25 step %scan3A_26  : i32 {
      %mul3A_54 = arith.constant 2 : i32
      %mul3A_55 = arith.muli %scan3A_53, %mul3A_54 : i32
      %add3A_56 = arith.constant 0 : i32
      %add3A_57 = arith.addi %add3A_56, %mul3A_55 : i32
      %add3A_58 = arith.constant 0 : i32
      %add3A_59 = arith.addi %add3A_57, %add3A_58 : i32
      %dma_wait3A = arith.constant 0 : i32
      %dma_wait3A_60 = tpu.memref_slice %arg6[%add3A_59, %dma_wait3A] : memref<40x128xi32, #tpu.memory_space<vmem>> -> memref<1x128xi32, #tpu.memory_space<vmem>>
      %dma_wait3A_61 = tpu.memref_squeeze %dma_wait3A_60 : memref<1x128xi32, #tpu.memory_space<vmem>> -> memref<128xi32, #tpu.memory_space<vmem>>
      %dma_wait3A_62 = arith.constant 0 : i32
      %dma_wait3A_63 = arith.constant 0 : i32
      %dma_wait3A_64 = tpu.memref_slice %arg2[%dma_wait3A_62, %dma_wait3A_63] : memref<10240x128xf32, #tpu.memory_space<hbm>> -> memref<10240x128xf32, #tpu.memory_space<hbm>>
      tpu.wait_indirect_dma semaphore(%arg11 : memref<!tpu.dma_semaphore, #tpu.memory_space<semaphore_mem>>) src(%dma_wait3A_64 : memref<10240x128xf32, #tpu.memory_space<hbm>>) dst(%arg8 : memref<128x128xf32, #tpu.memory_space<vmem>>)
      "tpu.region"() ({
        %run_scoped3A = tpu.sem_alloc : memref<!tpu.dma_semaphore, #tpu.memory_space<semaphore_mem>>
        %dma_start3A_84 = arith.constant 0 : i32
        %dma_start3A_85 = tpu.memref_slice %arg7[%add3A_59, %dma_start3A_84] : memref<40x128xi32, #tpu.memory_space<vmem>> -> memref<1x128xi32, #tpu.memory_space<vmem>>
        %dma_start3A_86 = tpu.memref_squeeze %dma_start3A_85 : memref<1x128xi32, #tpu.memory_space<vmem>> -> memref<128xi32, #tpu.memory_space<vmem>>
        %dma_start3A_87 = arith.constant 0 : i32
        %dma_start3A_88 = arith.constant 0 : i32
        %dma_start3A_89 = tpu.memref_slice %arg10[%dma_start3A_87, %dma_start3A_88] : memref<10240x128xf32, #tpu.memory_space<vmem_shared>> -> memref<10240x128xf32, #tpu.memory_space<vmem_shared>>
        tpu.enqueue_indirect_dma source(%arg8 : memref<128x128xf32, #tpu.memory_space<vmem>>) target(%dma_start3A_89 : memref<10240x128xf32, #tpu.memory_space<vmem_shared>>) offsets(%dma_start3A_86 : memref<128xi32, #tpu.memory_space<vmem>>) semaphore(%run_scoped3A : memref<!tpu.dma_semaphore, #tpu.memory_space<semaphore_mem>>) {add = true}
        %dma_wait3A_90 = arith.constant 0 : i32
        %dma_wait3A_91 = tpu.memref_slice %arg7[%add3A_59, %dma_wait3A_90] : memref<40x128xi32, #tpu.memory_space<vmem>> -> memref<1x128xi32, #tpu.memory_space<vmem>>
        %dma_wait3A_92 = tpu.memref_squeeze %dma_wait3A_91 : memref<1x128xi32, #tpu.memory_space<vmem>> -> memref<128xi32, #tpu.memory_space<vmem>>
        %dma_wait3A_93 = arith.constant 0 : i32
        %dma_wait3A_94 = arith.constant 0 : i32
        %dma_wait3A_95 = tpu.memref_slice %arg10[%dma_wait3A_93, %dma_wait3A_94] : memref<10240x128xf32, #tpu.memory_space<vmem_shared>> -> memref<10240x128xf32, #tpu.memory_space<vmem_shared>>
        tpu.wait_indirect_dma semaphore(%run_scoped3A : memref<!tpu.dma_semaphore, #tpu.memory_space<semaphore_mem>>) src(%arg8 : memref<128x128xf32, #tpu.memory_space<vmem>>) dst(%dma_wait3A_95 : memref<10240x128xf32, #tpu.memory_space<vmem_shared>>)
        tpu.yield
      }) : () -> ()
      %add3A_65 = arith.constant 2 : i32
      %add3A_66 = arith.addi %add3A_59, %add3A_65 : i32
      %lt3A = arith.constant 40 : i32
      %lt3A_67 = arith.cmpi slt, %add3A_66, %lt3A : i32
      %convert_element_type3A = arith.extui %lt3A_67 : i1 to i32
      %cond3A = arith.constant 0 : i32
      %cond3A_68 = arith.cmpi ne, %convert_element_type3A, %cond3A : i32
      scf.if %cond3A_68 {
        %add3A_84 = arith.constant 2 : i32
        %add3A_85 = arith.addi %add3A_59, %add3A_84 : i32
        %dma_start3A_86 = arith.constant 0 : i32
        %dma_start3A_87 = tpu.memref_slice %arg6[%add3A_85, %dma_start3A_86] : memref<40x128xi32, #tpu.memory_space<vmem>> -> memref<1x128xi32, #tpu.memory_space<vmem>>
        %dma_start3A_88 = tpu.memref_squeeze %dma_start3A_87 : memref<1x128xi32, #tpu.memory_space<vmem>> -> memref<128xi32, #tpu.memory_space<vmem>>
        %dma_start3A_89 = arith.constant 0 : i32
        %dma_start3A_90 = arith.constant 0 : i32
        %dma_start3A_91 = tpu.memref_slice %arg2[%dma_start3A_89, %dma_start3A_90] : memref<10240x128xf32, #tpu.memory_space<hbm>> -> memref<10240x128xf32, #tpu.memory_space<hbm>>
        tpu.enqueue_indirect_dma source(%dma_start3A_91 : memref<10240x128xf32, #tpu.memory_space<hbm>>) target(%arg8 : memref<128x128xf32, #tpu.memory_space<vmem>>) offsets(%dma_start3A_88 : memref<128xi32, #tpu.memory_space<vmem>>) semaphore(%arg11 : memref<!tpu.dma_semaphore, #tpu.memory_space<semaphore_mem>>)
      } else {
      }
      %add3A_69 = arith.constant 1 : i32
      %add3A_70 = arith.addi %add3A_57, %add3A_69 : i32
      %dma_wait3A_71 = arith.constant 0 : i32
      %dma_wait3A_72 = tpu.memref_slice %arg6[%add3A_70, %dma_wait3A_71] : memref<40x128xi32, #tpu.memory_space<vmem>> -> memref<1x128xi32, #tpu.memory_space<vmem>>
      %dma_wait3A_73 = tpu.memref_squeeze %dma_wait3A_72 : memref<1x128xi32, #tpu.memory_space<vmem>> -> memref<128xi32, #tpu.memory_space<vmem>>
      %dma_wait3A_74 = arith.constant 0 : i32
      %dma_wait3A_75 = arith.constant 0 : i32
      %dma_wait3A_76 = tpu.memref_slice %arg2[%dma_wait3A_74, %dma_wait3A_75] : memref<10240x128xf32, #tpu.memory_space<hbm>> -> memref<10240x128xf32, #tpu.memory_space<hbm>>
      tpu.wait_indirect_dma semaphore(%arg12 : memref<!tpu.dma_semaphore, #tpu.memory_space<semaphore_mem>>) src(%dma_wait3A_76 : memref<10240x128xf32, #tpu.memory_space<hbm>>) dst(%arg9 : memref<128x128xf32, #tpu.memory_space<vmem>>)
      "tpu.region"() ({
        %run_scoped3A = tpu.sem_alloc : memref<!tpu.dma_semaphore, #tpu.memory_space<semaphore_mem>>
        %dma_start3A_84 = arith.constant 0 : i32
        %dma_start3A_85 = tpu.memref_slice %arg7[%add3A_70, %dma_start3A_84] : memref<40x128xi32, #tpu.memory_space<vmem>> -> memref<1x128xi32, #tpu.memory_space<vmem>>
        %dma_start3A_86 = tpu.memref_squeeze %dma_start3A_85 : memref<1x128xi32, #tpu.memory_space<vmem>> -> memref<128xi32, #tpu.memory_space<vmem>>
        %dma_start3A_87 = arith.constant 0 : i32
        %dma_start3A_88 = arith.constant 0 : i32
        %dma_start3A_89 = tpu.memref_slice %arg10[%dma_start3A_87, %dma_start3A_88] : memref<10240x128xf32, #tpu.memory_space<vmem_shared>> -> memref<10240x128xf32, #tpu.memory_space<vmem_shared>>
        tpu.enqueue_indirect_dma source(%arg9 : memref<128x128xf32, #tpu.memory_space<vmem>>) target(%dma_start3A_89 : memref<10240x128xf32, #tpu.memory_space<vmem_shared>>) offsets(%dma_start3A_86 : memref<128xi32, #tpu.memory_space<vmem>>) semaphore(%run_scoped3A : memref<!tpu.dma_semaphore, #tpu.memory_space<semaphore_mem>>) {add = true}
        %dma_wait3A_90 = arith.constant 0 : i32
        %dma_wait3A_91 = tpu.memref_slice %arg7[%add3A_70, %dma_wait3A_90] : memref<40x128xi32, #tpu.memory_space<vmem>> -> memref<1x128xi32, #tpu.memory_space<vmem>>
        %dma_wait3A_92 = tpu.memref_squeeze %dma_wait3A_91 : memref<1x128xi32, #tpu.memory_space<vmem>> -> memref<128xi32, #tpu.memory_space<vmem>>
        %dma_wait3A_93 = arith.constant 0 : i32
        %dma_wait3A_94 = arith.constant 0 : i32
        %dma_wait3A_95 = tpu.memref_slice %arg10[%dma_wait3A_93, %dma_wait3A_94] : memref<10240x128xf32, #tpu.memory_space<vmem_shared>> -> memref<10240x128xf32, #tpu.memory_space<vmem_shared>>
        tpu.wait_indirect_dma semaphore(%run_scoped3A : memref<!tpu.dma_semaphore, #tpu.memory_space<semaphore_mem>>) src(%arg9 : memref<128x128xf32, #tpu.memory_space<vmem>>) dst(%dma_wait3A_95 : memref<10240x128xf32, #tpu.memory_space<vmem_shared>>)
        tpu.yield
      }) : () -> ()
      %add3A_77 = arith.constant 2 : i32
      %add3A_78 = arith.addi %add3A_70, %add3A_77 : i32
      %lt3A_79 = arith.constant 40 : i32
      %lt3A_80 = arith.cmpi slt, %add3A_78, %lt3A_79 : i32
      %convert_element_type3A_81 = arith.extui %lt3A_80 : i1 to i32
      %cond3A_82 = arith.constant 0 : i32
      %cond3A_83 = arith.cmpi ne, %convert_element_type3A_81, %cond3A_82 : i32
      scf.if %cond3A_83 {
        %add3A_84 = arith.constant 2 : i32
        %add3A_85 = arith.addi %add3A_70, %add3A_84 : i32
        %dma_start3A_86 = arith.constant 0 : i32
        %dma_start3A_87 = tpu.memref_slice %arg6[%add3A_85, %dma_start3A_86] : memref<40x128xi32, #tpu.memory_space<vmem>> -> memref<1x128xi32, #tpu.memory_space<vmem>>
        %dma_start3A_88 = tpu.memref_squeeze %dma_start3A_87 : memref<1x128xi32, #tpu.memory_space<vmem>> -> memref<128xi32, #tpu.memory_space<vmem>>
        %dma_start3A_89 = arith.constant 0 : i32
        %dma_start3A_90 = arith.constant 0 : i32
        %dma_start3A_91 = tpu.memref_slice %arg2[%dma_start3A_89, %dma_start3A_90] : memref<10240x128xf32, #tpu.memory_space<hbm>> -> memref<10240x128xf32, #tpu.memory_space<hbm>>
        tpu.enqueue_indirect_dma source(%dma_start3A_91 : memref<10240x128xf32, #tpu.memory_space<hbm>>) target(%arg9 : memref<128x128xf32, #tpu.memory_space<vmem>>) offsets(%dma_start3A_88 : memref<128xi32, #tpu.memory_space<vmem>>) semaphore(%arg12 : memref<!tpu.dma_semaphore, #tpu.memory_space<semaphore_mem>>)
      } else {
      }
    }
    %scan3A_27 = arith.constant 20 : i32
    "tpu.region"() ({
      %run_scoped3A = tpu.sem_alloc : memref<!tpu.dma_semaphore, #tpu.memory_space<semaphore_mem>>
      %dma_start3A_53 = arith.constant 40 : i32
      %dma_start3A_54 = arith.constant 0 : i32
      %dma_start3A_55 = tpu.memref_slice %arg3[%add3A, %dma_start3A_53, %dma_start3A_54] : memref<32x80x128xi32, #tpu.memory_space<hbm>> -> memref<1x40x128xi32, #tpu.memory_space<hbm>>
      %dma_start3A_56 = tpu.memref_squeeze %dma_start3A_55 : memref<1x40x128xi32, #tpu.memory_space<hbm>> -> memref<40x128xi32, #tpu.memory_space<hbm>>
      %dma_start3A_57 = arith.constant 40 : i32
      %dma_start3A_58 = arith.constant 0 : i32
      %dma_start3A_59 = tpu.memref_slice %arg3[%add3A, %dma_start3A_57, %dma_start3A_58] : memref<32x80x128xi32, #tpu.memory_space<hbm>> -> memref<1x40x128xi32, #tpu.memory_space<hbm>>
      %dma_start3A_60 = tpu.memref_squeeze %dma_start3A_59 : memref<1x40x128xi32, #tpu.memory_space<hbm>> -> memref<40x128xi32, #tpu.memory_space<hbm>>
      tpu.enqueue_dma source(%dma_start3A_60 : memref<40x128xi32, #tpu.memory_space<hbm>>) target(%arg6 : memref<40x128xi32, #tpu.memory_space<vmem>>) target_semaphore(%run_scoped3A : memref<!tpu.dma_semaphore, #tpu.memory_space<semaphore_mem>>)
      %dma_wait3A = arith.constant 40 : i32
      %dma_wait3A_61 = arith.constant 0 : i32
      %dma_wait3A_62 = tpu.memref_slice %arg3[%add3A, %dma_wait3A, %dma_wait3A_61] : memref<32x80x128xi32, #tpu.memory_space<hbm>> -> memref<1x40x128xi32, #tpu.memory_space<hbm>>
      %dma_wait3A_63 = tpu.memref_squeeze %dma_wait3A_62 : memref<1x40x128xi32, #tpu.memory_space<hbm>> -> memref<40x128xi32, #tpu.memory_space<hbm>>
      %dma_wait3A_64 = arith.constant 40 : i32
      %dma_wait3A_65 = arith.constant 0 : i32
      %dma_wait3A_66 = tpu.memref_slice %arg3[%add3A, %dma_wait3A_64, %dma_wait3A_65] : memref<32x80x128xi32, #tpu.memory_space<hbm>> -> memref<1x40x128xi32, #tpu.memory_space<hbm>>
      %dma_wait3A_67 = tpu.memref_squeeze %dma_wait3A_66 : memref<1x40x128xi32, #tpu.memory_space<hbm>> -> memref<40x128xi32, #tpu.memory_space<hbm>>
      tpu.wait_dma2 semaphore(%run_scoped3A : memref<!tpu.dma_semaphore, #tpu.memory_space<semaphore_mem>>) src(%dma_wait3A_67 : memref<40x128xi32, #tpu.memory_space<hbm>>) dst(%arg6 : memref<40x128xi32, #tpu.memory_space<vmem>>)
      tpu.yield
    }) : () -> ()
    "tpu.region"() ({
      %run_scoped3A = tpu.sem_alloc : memref<!tpu.dma_semaphore, #tpu.memory_space<semaphore_mem>>
      %dma_start3A_53 = arith.constant 40 : i32
      %dma_start3A_54 = arith.constant 0 : i32
      %dma_start3A_55 = tpu.memref_slice %arg4[%add3A, %dma_start3A_53, %dma_start3A_54] : memref<32x80x128xi32, #tpu.memory_space<hbm>> -> memref<1x40x128xi32, #tpu.memory_space<hbm>>
      %dma_start3A_56 = tpu.memref_squeeze %dma_start3A_55 : memref<1x40x128xi32, #tpu.memory_space<hbm>> -> memref<40x128xi32, #tpu.memory_space<hbm>>
      %dma_start3A_57 = arith.constant 40 : i32
      %dma_start3A_58 = arith.constant 0 : i32
      %dma_start3A_59 = tpu.memref_slice %arg4[%add3A, %dma_start3A_57, %dma_start3A_58] : memref<32x80x128xi32, #tpu.memory_space<hbm>> -> memref<1x40x128xi32, #tpu.memory_space<hbm>>
      %dma_start3A_60 = tpu.memref_squeeze %dma_start3A_59 : memref<1x40x128xi32, #tpu.memory_space<hbm>> -> memref<40x128xi32, #tpu.memory_space<hbm>>
      tpu.enqueue_dma source(%dma_start3A_60 : memref<40x128xi32, #tpu.memory_space<hbm>>) target(%arg7 : memref<40x128xi32, #tpu.memory_space<vmem>>) target_semaphore(%run_scoped3A : memref<!tpu.dma_semaphore, #tpu.memory_space<semaphore_mem>>)
      %dma_wait3A = arith.constant 40 : i32
      %dma_wait3A_61 = arith.constant 0 : i32
      %dma_wait3A_62 = tpu.memref_slice %arg4[%add3A, %dma_wait3A, %dma_wait3A_61] : memref<32x80x128xi32, #tpu.memory_space<hbm>> -> memref<1x40x128xi32, #tpu.memory_space<hbm>>
      %dma_wait3A_63 = tpu.memref_squeeze %dma_wait3A_62 : memref<1x40x128xi32, #tpu.memory_space<hbm>> -> memref<40x128xi32, #tpu.memory_space<hbm>>
      %dma_wait3A_64 = arith.constant 40 : i32
      %dma_wait3A_65 = arith.constant 0 : i32
      %dma_wait3A_66 = tpu.memref_slice %arg4[%add3A, %dma_wait3A_64, %dma_wait3A_65] : memref<32x80x128xi32, #tpu.memory_space<hbm>> -> memref<1x40x128xi32, #tpu.memory_space<hbm>>
      %dma_wait3A_67 = tpu.memref_squeeze %dma_wait3A_66 : memref<1x40x128xi32, #tpu.memory_space<hbm>> -> memref<40x128xi32, #tpu.memory_space<hbm>>
      tpu.wait_dma2 semaphore(%run_scoped3A : memref<!tpu.dma_semaphore, #tpu.memory_space<semaphore_mem>>) src(%dma_wait3A_67 : memref<40x128xi32, #tpu.memory_space<hbm>>) dst(%arg7 : memref<40x128xi32, #tpu.memory_space<vmem>>)
      tpu.yield
    }) : () -> ()
    %dma_start3A_28 = arith.constant 0 : i32
    %dma_start3A_29 = arith.constant 0 : i32
    %dma_start3A_30 = tpu.memref_slice %arg6[%dma_start3A_28, %dma_start3A_29] : memref<40x128xi32, #tpu.memory_space<vmem>> -> memref<1x128xi32, #tpu.memory_space<vmem>>
    %dma_start3A_31 = tpu.memref_squeeze %dma_start3A_30 : memref<1x128xi32, #tpu.memory_space<vmem>> -> memref<128xi32, #tpu.memory_space<vmem>>
    %dma_start3A_32 = arith.constant 0 : i32
    %dma_start3A_33 = arith.constant 0 : i32
    %dma_start3A_34 = tpu.memref_slice %arg2[%dma_start3A_32, %dma_start3A_33] : memref<10240x128xf32, #tpu.memory_space<hbm>> -> memref<10240x128xf32, #tpu.memory_space<hbm>>
    tpu.enqueue_indirect_dma source(%dma_start3A_34 : memref<10240x128xf32, #tpu.memory_space<hbm>>) target(%arg8 : memref<128x128xf32, #tpu.memory_space<vmem>>) offsets(%dma_start3A_31 : memref<128xi32, #tpu.memory_space<vmem>>) semaphore(%arg11 : memref<!tpu.dma_semaphore, #tpu.memory_space<semaphore_mem>>)
    %dma_start3A_35 = arith.constant 1 : i32
    %dma_start3A_36 = arith.constant 0 : i32
    %dma_start3A_37 = tpu.memref_slice %arg6[%dma_start3A_35, %dma_start3A_36] : memref<40x128xi32, #tpu.memory_space<vmem>> -> memref<1x128xi32, #tpu.memory_space<vmem>>
    %dma_start3A_38 = tpu.memref_squeeze %dma_start3A_37 : memref<1x128xi32, #tpu.memory_space<vmem>> -> memref<128xi32, #tpu.memory_space<vmem>>
    %dma_start3A_39 = arith.constant 0 : i32
    %dma_start3A_40 = arith.constant 0 : i32
    %dma_start3A_41 = tpu.memref_slice %arg2[%dma_start3A_39, %dma_start3A_40] : memref<10240x128xf32, #tpu.memory_space<hbm>> -> memref<10240x128xf32, #tpu.memory_space<hbm>>
    tpu.enqueue_indirect_dma source(%dma_start3A_41 : memref<10240x128xf32, #tpu.memory_space<hbm>>) target(%arg9 : memref<128x128xf32, #tpu.memory_space<vmem>>) offsets(%dma_start3A_38 : memref<128xi32, #tpu.memory_space<vmem>>) semaphore(%arg12 : memref<!tpu.dma_semaphore, #tpu.memory_space<semaphore_mem>>)
    %scan3A_42 = arith.constant 0 : i32
    %scan3A_43 = arith.constant 20 : i32
    %scan3A_44 = arith.addi %scan3A_42, %scan3A_43 : i32
    %scan3A_45 = arith.constant 1 : i32
    scf.for %scan3A_53 = %scan3A_42 to %scan3A_44 step %scan3A_45  : i32 {
      %mul3A_54 = arith.constant 2 : i32
      %mul3A_55 = arith.muli %scan3A_53, %mul3A_54 : i32
      %add3A_56 = arith.constant 0 : i32
      %add3A_57 = arith.addi %add3A_56, %mul3A_55 : i32
      %add3A_58 = arith.constant 0 : i32
      %add3A_59 = arith.addi %add3A_57, %add3A_58 : i32
      %dma_wait3A = arith.constant 0 : i32
      %dma_wait3A_60 = tpu.memref_slice %arg6[%add3A_59, %dma_wait3A] : memref<40x128xi32, #tpu.memory_space<vmem>> -> memref<1x128xi32, #tpu.memory_space<vmem>>
      %dma_wait3A_61 = tpu.memref_squeeze %dma_wait3A_60 : memref<1x128xi32, #tpu.memory_space<vmem>> -> memref<128xi32, #tpu.memory_space<vmem>>
      %dma_wait3A_62 = arith.constant 0 : i32
      %dma_wait3A_63 = arith.constant 0 : i32
      %dma_wait3A_64 = tpu.memref_slice %arg2[%dma_wait3A_62, %dma_wait3A_63] : memref<10240x128xf32, #tpu.memory_space<hbm>> -> memref<10240x128xf32, #tpu.memory_space<hbm>>
      tpu.wait_indirect_dma semaphore(%arg11 : memref<!tpu.dma_semaphore, #tpu.memory_space<semaphore_mem>>) src(%dma_wait3A_64 : memref<10240x128xf32, #tpu.memory_space<hbm>>) dst(%arg8 : memref<128x128xf32, #tpu.memory_space<vmem>>)
      "tpu.region"() ({
        %run_scoped3A = tpu.sem_alloc : memref<!tpu.dma_semaphore, #tpu.memory_space<semaphore_mem>>
        %dma_start3A_84 = arith.constant 0 : i32
        %dma_start3A_85 = tpu.memref_slice %arg7[%add3A_59, %dma_start3A_84] : memref<40x128xi32, #tpu.memory_space<vmem>> -> memref<1x128xi32, #tpu.memory_space<vmem>>
        %dma_start3A_86 = tpu.memref_squeeze %dma_start3A_85 : memref<1x128xi32, #tpu.memory_space<vmem>> -> memref<128xi32, #tpu.memory_space<vmem>>
        %dma_start3A_87 = arith.constant 0 : i32
        %dma_start3A_88 = arith.constant 0 : i32
        %dma_start3A_89 = tpu.memref_slice %arg10[%dma_start3A_87, %dma_start3A_88] : memref<10240x128xf32, #tpu.memory_space<vmem_shared>> -> memref<10240x128xf32, #tpu.memory_space<vmem_shared>>
        tpu.enqueue_indirect_dma source(%arg8 : memref<128x128xf32, #tpu.memory_space<vmem>>) target(%dma_start3A_89 : memref<10240x128xf32, #tpu.memory_space<vmem_shared>>) offsets(%dma_start3A_86 : memref<128xi32, #tpu.memory_space<vmem>>) semaphore(%run_scoped3A : memref<!tpu.dma_semaphore, #tpu.memory_space<semaphore_mem>>) {add = true}
        %dma_wait3A_90 = arith.constant 0 : i32
        %dma_wait3A_91 = tpu.memref_slice %arg7[%add3A_59, %dma_wait3A_90] : memref<40x128xi32, #tpu.memory_space<vmem>> -> memref<1x128xi32, #tpu.memory_space<vmem>>
        %dma_wait3A_92 = tpu.memref_squeeze %dma_wait3A_91 : memref<1x128xi32, #tpu.memory_space<vmem>> -> memref<128xi32, #tpu.memory_space<vmem>>
        %dma_wait3A_93 = arith.constant 0 : i32
        %dma_wait3A_94 = arith.constant 0 : i32
        %dma_wait3A_95 = tpu.memref_slice %arg10[%dma_wait3A_93, %dma_wait3A_94] : memref<10240x128xf32, #tpu.memory_space<vmem_shared>> -> memref<10240x128xf32, #tpu.memory_space<vmem_shared>>
        tpu.wait_indirect_dma semaphore(%run_scoped3A : memref<!tpu.dma_semaphore, #tpu.memory_space<semaphore_mem>>) src(%arg8 : memref<128x128xf32, #tpu.memory_space<vmem>>) dst(%dma_wait3A_95 : memref<10240x128xf32, #tpu.memory_space<vmem_shared>>)
        tpu.yield
      }) : () -> ()
      %add3A_65 = arith.constant 2 : i32
      %add3A_66 = arith.addi %add3A_59, %add3A_65 : i32
      %lt3A = arith.constant 40 : i32
      %lt3A_67 = arith.cmpi slt, %add3A_66, %lt3A : i32
      %convert_element_type3A = arith.extui %lt3A_67 : i1 to i32
      %cond3A = arith.constant 0 : i32
      %cond3A_68 = arith.cmpi ne, %convert_element_type3A, %cond3A : i32
      scf.if %cond3A_68 {
        %add3A_84 = arith.constant 2 : i32
        %add3A_85 = arith.addi %add3A_59, %add3A_84 : i32
        %dma_start3A_86 = arith.constant 0 : i32
        %dma_start3A_87 = tpu.memref_slice %arg6[%add3A_85, %dma_start3A_86] : memref<40x128xi32, #tpu.memory_space<vmem>> -> memref<1x128xi32, #tpu.memory_space<vmem>>
        %dma_start3A_88 = tpu.memref_squeeze %dma_start3A_87 : memref<1x128xi32, #tpu.memory_space<vmem>> -> memref<128xi32, #tpu.memory_space<vmem>>
        %dma_start3A_89 = arith.constant 0 : i32
        %dma_start3A_90 = arith.constant 0 : i32
        %dma_start3A_91 = tpu.memref_slice %arg2[%dma_start3A_89, %dma_start3A_90] : memref<10240x128xf32, #tpu.memory_space<hbm>> -> memref<10240x128xf32, #tpu.memory_space<hbm>>
        tpu.enqueue_indirect_dma source(%dma_start3A_91 : memref<10240x128xf32, #tpu.memory_space<hbm>>) target(%arg8 : memref<128x128xf32, #tpu.memory_space<vmem>>) offsets(%dma_start3A_88 : memref<128xi32, #tpu.memory_space<vmem>>) semaphore(%arg11 : memref<!tpu.dma_semaphore, #tpu.memory_space<semaphore_mem>>)
      } else {
      }
      %add3A_69 = arith.constant 1 : i32
      %add3A_70 = arith.addi %add3A_57, %add3A_69 : i32
      %dma_wait3A_71 = arith.constant 0 : i32
      %dma_wait3A_72 = tpu.memref_slice %arg6[%add3A_70, %dma_wait3A_71] : memref<40x128xi32, #tpu.memory_space<vmem>> -> memref<1x128xi32, #tpu.memory_space<vmem>>
      %dma_wait3A_73 = tpu.memref_squeeze %dma_wait3A_72 : memref<1x128xi32, #tpu.memory_space<vmem>> -> memref<128xi32, #tpu.memory_space<vmem>>
      %dma_wait3A_74 = arith.constant 0 : i32
      %dma_wait3A_75 = arith.constant 0 : i32
      %dma_wait3A_76 = tpu.memref_slice %arg2[%dma_wait3A_74, %dma_wait3A_75] : memref<10240x128xf32, #tpu.memory_space<hbm>> -> memref<10240x128xf32, #tpu.memory_space<hbm>>
      tpu.wait_indirect_dma semaphore(%arg12 : memref<!tpu.dma_semaphore, #tpu.memory_space<semaphore_mem>>) src(%dma_wait3A_76 : memref<10240x128xf32, #tpu.memory_space<hbm>>) dst(%arg9 : memref<128x128xf32, #tpu.memory_space<vmem>>)
      "tpu.region"() ({
        %run_scoped3A = tpu.sem_alloc : memref<!tpu.dma_semaphore, #tpu.memory_space<semaphore_mem>>
        %dma_start3A_84 = arith.constant 0 : i32
        %dma_start3A_85 = tpu.memref_slice %arg7[%add3A_70, %dma_start3A_84] : memref<40x128xi32, #tpu.memory_space<vmem>> -> memref<1x128xi32, #tpu.memory_space<vmem>>
        %dma_start3A_86 = tpu.memref_squeeze %dma_start3A_85 : memref<1x128xi32, #tpu.memory_space<vmem>> -> memref<128xi32, #tpu.memory_space<vmem>>
        %dma_start3A_87 = arith.constant 0 : i32
        %dma_start3A_88 = arith.constant 0 : i32
        %dma_start3A_89 = tpu.memref_slice %arg10[%dma_start3A_87, %dma_start3A_88] : memref<10240x128xf32, #tpu.memory_space<vmem_shared>> -> memref<10240x128xf32, #tpu.memory_space<vmem_shared>>
        tpu.enqueue_indirect_dma source(%arg9 : memref<128x128xf32, #tpu.memory_space<vmem>>) target(%dma_start3A_89 : memref<10240x128xf32, #tpu.memory_space<vmem_shared>>) offsets(%dma_start3A_86 : memref<128xi32, #tpu.memory_space<vmem>>) semaphore(%run_scoped3A : memref<!tpu.dma_semaphore, #tpu.memory_space<semaphore_mem>>) {add = true}
        %dma_wait3A_90 = arith.constant 0 : i32
        %dma_wait3A_91 = tpu.memref_slice %arg7[%add3A_70, %dma_wait3A_90] : memref<40x128xi32, #tpu.memory_space<vmem>> -> memref<1x128xi32, #tpu.memory_space<vmem>>
        %dma_wait3A_92 = tpu.memref_squeeze %dma_wait3A_91 : memref<1x128xi32, #tpu.memory_space<vmem>> -> memref<128xi32, #tpu.memory_space<vmem>>
        %dma_wait3A_93 = arith.constant 0 : i32
        %dma_wait3A_94 = arith.constant 0 : i32
        %dma_wait3A_95 = tpu.memref_slice %arg10[%dma_wait3A_93, %dma_wait3A_94] : memref<10240x128xf32, #tpu.memory_space<vmem_shared>> -> memref<10240x128xf32, #tpu.memory_space<vmem_shared>>
        tpu.wait_indirect_dma semaphore(%run_scoped3A : memref<!tpu.dma_semaphore, #tpu.memory_space<semaphore_mem>>) src(%arg9 : memref<128x128xf32, #tpu.memory_space<vmem>>) dst(%dma_wait3A_95 : memref<10240x128xf32, #tpu.memory_space<vmem_shared>>)
        tpu.yield
      }) : () -> ()
      %add3A_77 = arith.constant 2 : i32
      %add3A_78 = arith.addi %add3A_70, %add3A_77 : i32
      %lt3A_79 = arith.constant 40 : i32
      %lt3A_80 = arith.cmpi slt, %add3A_78, %lt3A_79 : i32
      %convert_element_type3A_81 = arith.extui %lt3A_80 : i1 to i32
      %cond3A_82 = arith.constant 0 : i32
      %cond3A_83 = arith.cmpi ne, %convert_element_type3A_81, %cond3A_82 : i32
      scf.if %cond3A_83 {
        %add3A_84 = arith.constant 2 : i32
        %add3A_85 = arith.addi %add3A_70, %add3A_84 : i32
        %dma_start3A_86 = arith.constant 0 : i32
        %dma_start3A_87 = tpu.memref_slice %arg6[%add3A_85, %dma_start3A_86] : memref<40x128xi32, #tpu.memory_space<vmem>> -> memref<1x128xi32, #tpu.memory_space<vmem>>
        %dma_start3A_88 = tpu.memref_squeeze %dma_start3A_87 : memref<1x128xi32, #tpu.memory_space<vmem>> -> memref<128xi32, #tpu.memory_space<vmem>>
        %dma_start3A_89 = arith.constant 0 : i32
        %dma_start3A_90 = arith.constant 0 : i32
        %dma_start3A_91 = tpu.memref_slice %arg2[%dma_start3A_89, %dma_start3A_90] : memref<10240x128xf32, #tpu.memory_space<hbm>> -> memref<10240x128xf32, #tpu.memory_space<hbm>>
        tpu.enqueue_indirect_dma source(%dma_start3A_91 : memref<10240x128xf32, #tpu.memory_space<hbm>>) target(%arg9 : memref<128x128xf32, #tpu.memory_space<vmem>>) offsets(%dma_start3A_88 : memref<128xi32, #tpu.memory_space<vmem>>) semaphore(%arg12 : memref<!tpu.dma_semaphore, #tpu.memory_space<semaphore_mem>>)
      } else {
      }
    }
    %scan3A_46 = arith.constant 20 : i32
    %barrier3A_47 = arith.constant 0 : index
    tpu.barrier barrier_id(%barrier3A_47)
    %scan3A_48 = arith.constant 0 : i32
    %scan3A_49 = arith.constant 5 : i32
    %scan3A_50 = arith.addi %scan3A_48, %scan3A_49 : i32
    %scan3A_51 = arith.constant 1 : i32
    scf.for %scan3A_53 = %scan3A_48 to %scan3A_50 step %scan3A_51  : i32 {
      %mul3A_54 = arith.constant 1 : i32
      %mul3A_55 = arith.muli %scan3A_53, %mul3A_54 : i32
      %add3A_56 = arith.constant 0 : i32
      %add3A_57 = arith.addi %add3A_56, %mul3A_55 : i32
      %mul3A_58 = arith.constant 640 : i32
      %mul3A_59 = arith.muli %arg1, %mul3A_58 : i32
      %mul3A_60 = arith.constant 128 : i32
      %mul3A_61 = arith.muli %add3A_57, %mul3A_60 : i32
      %add3A_62 = arith.addi %mul3A_59, %mul3A_61 : i32
      "tpu.region"() ({
        %run_scoped3A = tpu.sem_alloc : memref<!tpu.dma_semaphore, #tpu.memory_space<semaphore_mem>>
        %dma_start3A_63 = arith.constant 0 : i32
        %dma_start3A_64 = tpu.memref_slice %arg10[%add3A_62, %dma_start3A_63] : memref<10240x128xf32, #tpu.memory_space<vmem_shared>> -> memref<128x128xf32, #tpu.memory_space<vmem_shared>>
        %dma_start3A_65 = arith.constant 0 : i32
        %dma_start3A_66 = tpu.memref_slice %arg10[%add3A_62, %dma_start3A_65] : memref<10240x128xf32, #tpu.memory_space<vmem_shared>> -> memref<128x128xf32, #tpu.memory_space<vmem_shared>>
        tpu.enqueue_dma source(%dma_start3A_66 : memref<128x128xf32, #tpu.memory_space<vmem_shared>>) target(%arg9 : memref<128x128xf32, #tpu.memory_space<vmem>>) target_semaphore(%run_scoped3A : memref<!tpu.dma_semaphore, #tpu.memory_space<semaphore_mem>>)
        %dma_wait3A = arith.constant 0 : i32
        %dma_wait3A_67 = tpu.memref_slice %arg10[%add3A_62, %dma_wait3A] : memref<10240x128xf32, #tpu.memory_space<vmem_shared>> -> memref<128x128xf32, #tpu.memory_space<vmem_shared>>
        %dma_wait3A_68 = arith.constant 0 : i32
        %dma_wait3A_69 = tpu.memref_slice %arg10[%add3A_62, %dma_wait3A_68] : memref<10240x128xf32, #tpu.memory_space<vmem_shared>> -> memref<128x128xf32, #tpu.memory_space<vmem_shared>>
        tpu.wait_dma2 semaphore(%run_scoped3A : memref<!tpu.dma_semaphore, #tpu.memory_space<semaphore_mem>>) src(%dma_wait3A_69 : memref<128x128xf32, #tpu.memory_space<vmem_shared>>) dst(%arg9 : memref<128x128xf32, #tpu.memory_space<vmem>>)
        tpu.yield
      }) : () -> ()
      "tpu.region"() ({
        %run_scoped3A = tpu.sem_alloc : memref<!tpu.dma_semaphore, #tpu.memory_space<semaphore_mem>>
        %dma_start3A_63 = arith.constant 0 : i32
        %dma_start3A_64 = tpu.memref_slice %arg5[%arg0, %add3A_62, %dma_start3A_63] : memref<2x10240x128xf32, #tpu.memory_space<hbm>> -> memref<1x128x128xf32, #tpu.memory_space<hbm>>
        %dma_start3A_65 = tpu.memref_squeeze %dma_start3A_64 : memref<1x128x128xf32, #tpu.memory_space<hbm>> -> memref<128x128xf32, #tpu.memory_space<hbm>>
        %dma_start3A_66 = arith.constant 0 : i32
        %dma_start3A_67 = tpu.memref_slice %arg5[%arg0, %add3A_62, %dma_start3A_66] : memref<2x10240x128xf32, #tpu.memory_space<hbm>> -> memref<1x128x128xf32, #tpu.memory_space<hbm>>
        %dma_start3A_68 = tpu.memref_squeeze %dma_start3A_67 : memref<1x128x128xf32, #tpu.memory_space<hbm>> -> memref<128x128xf32, #tpu.memory_space<hbm>>
        tpu.enqueue_dma source(%arg9 : memref<128x128xf32, #tpu.memory_space<vmem>>) target(%dma_start3A_68 : memref<128x128xf32, #tpu.memory_space<hbm>>) target_semaphore(%run_scoped3A : memref<!tpu.dma_semaphore, #tpu.memory_space<semaphore_mem>>)
        %dma_wait3A = arith.constant 0 : i32
        %dma_wait3A_69 = tpu.memref_slice %arg5[%arg0, %add3A_62, %dma_wait3A] : memref<2x10240x128xf32, #tpu.memory_space<hbm>> -> memref<1x128x128xf32, #tpu.memory_space<hbm>>
        %dma_wait3A_70 = tpu.memref_squeeze %dma_wait3A_69 : memref<1x128x128xf32, #tpu.memory_space<hbm>> -> memref<128x128xf32, #tpu.memory_space<hbm>>
        %dma_wait3A_71 = arith.constant 0 : i32
        %dma_wait3A_72 = tpu.memref_slice %arg5[%arg0, %add3A_62, %dma_wait3A_71] : memref<2x10240x128xf32, #tpu.memory_space<hbm>> -> memref<1x128x128xf32, #tpu.memory_space<hbm>>
        %dma_wait3A_73 = tpu.memref_squeeze %dma_wait3A_72 : memref<1x128x128xf32, #tpu.memory_space<hbm>> -> memref<128x128xf32, #tpu.memory_space<hbm>>
        tpu.wait_dma2 semaphore(%run_scoped3A : memref<!tpu.dma_semaphore, #tpu.memory_space<semaphore_mem>>) src(%arg9 : memref<128x128xf32, #tpu.memory_space<vmem>>) dst(%dma_wait3A_73 : memref<128x128xf32, #tpu.memory_space<hbm>>)
        tpu.yield
      }) : () -> ()
    }
    %scan3A_52 = arith.constant 5 : i32
    return
  }
}

module attributes {stable_mosaic.version = 14 : i64} {
  func.func @_tc_prep_body(%arg0: i32, %arg1: memref<128x128xf32, #tpu.memory_space<vmem>>, %arg2: memref<128x128xf32, #tpu.memory_space<vmem>>, %arg3: memref<2000x128xf32, #tpu.memory_space<vmem>>, %arg4: memref<2000x128xf32, #tpu.memory_space<vmem>>, %arg5: memref<2000x128xf32, #tpu.memory_space<vmem>>, %arg6: memref<2000x128xf32, #tpu.memory_space<vmem>>) attributes {dimension_semantics = [#tpu.dimension_semantics<arbitrary>], iteration_bounds = array<i64: 5>, scalar_prefetch = 0 : i64, scratch_operands = 0 : i64, tpu.core_type = #tpu.core_type<tc>, window_params = [{pipeline_mode = #tpu.pipeline_mode<synchronous>, transform_indices = @transform_0, window_bounds = array<i64: 128, 128>}, {pipeline_mode = #tpu.pipeline_mode<synchronous>, transform_indices = @transform_1, window_bounds = array<i64: 128, 128>}, {transform_indices = @transform_2, window_bounds = array<i64: 2000, 128>}, {transform_indices = @transform_3, window_bounds = array<i64: 2000, 128>}, {transform_indices = @transform_4, window_bounds = array<i64: 2000, 128>}, {transform_indices = @transform_5, window_bounds = array<i64: 2000, 128>}]} {
    %get3A = arith.constant 0 : index
    %get3A_0 = arith.constant 0 : index
    %get3A_1 = vector.load %arg1[%get3A, %get3A_0] : memref<128x128xf32, #tpu.memory_space<vmem>>, vector<128x128xf32>
    %abs3A = math.absf %get3A_1 : vector<128x128xf32>
    %reduce_sum3A = arith.constant dense<0.000000e+00> : vector<128xf32>
    %reduce_sum3A_2 = vector.multi_reduction <add>, %abs3A, %reduce_sum3A [1] : vector<128x128xf32> to vector<128xf32>
    %broadcast_in_dim3A = vector.shape_cast %reduce_sum3A_2 : vector<128xf32> to vector<128x1xf32>
    %gt3A = arith.constant 0.949999988 : f32
    %gt3A_3 = vector.broadcast %gt3A : f32 to vector<128x1xf32>
    %gt3A_4 = arith.cmpf ogt, %broadcast_in_dim3A, %gt3A_3 : vector<128x1xf32>
    %div3A = arith.constant 0.949999988 : f32
    %div3A_5 = vector.broadcast %div3A : f32 to vector<128x1xf32>
    %div3A_6 = arith.divf %div3A_5, %broadcast_in_dim3A : vector<128x1xf32>
    %jit3A = arith.constant 1.000000e+00 : f32
    %broadcast_in_dim3A_7 = vector.broadcast %jit3A : f32 to vector<128x1xf32>
    %select_n3A = arith.select %gt3A_4, %div3A_6, %broadcast_in_dim3A_7 : vector<128x1xi1>, vector<128x1xf32>
    %mul3A = vector.broadcast %select_n3A : vector<128x1xf32> to vector<128x128xf32>
    %mul3A_8 = arith.mulf %get3A_1, %mul3A : vector<128x128xf32>
    %get3A_9 = arith.constant 0 : index
    %get3A_10 = arith.constant 0 : index
    %get3A_11 = vector.load %arg3[%get3A_9, %get3A_10] : memref<2000x128xf32, #tpu.memory_space<vmem>>, vector<2000x128xf32>
    %transpose3A = tpu.transpose %mul3A_8, [1, 0] : vector<128x128xf32> -> vector<128x128xf32>
    %dot_general3A = arith.constant dense<0.000000e+00> : vector<2000x128xf32>
    %dot_general3A_12 = tpu.matmul %get3A_11, %transpose3A, %dot_general3A {dimension_numbers = #tpu.dot_dimension_numbers<[1], [0], [0], [1], [0, 0, 1, 1], [], []>, precision = #tpu.contract_precision<fp32>, transpose_lhs_hint = false} : vector<2000x128xf32>, vector<128x128xf32>, vector<2000x128xf32> -> vector<2000x128xf32>
    %swap3A = arith.constant 0 : index
    %swap3A_13 = arith.constant 0 : index
    %swap3A_14 = vector.load %arg5[%swap3A, %swap3A_13] : memref<2000x128xf32, #tpu.memory_space<vmem>>, vector<2000x128xf32>
    tpu.vector_store %arg5[%swap3A, %swap3A_13], %dot_general3A_12 {strides = array<i32>} : memref<2000x128xf32, #tpu.memory_space<vmem>>, vector<2000x128xf32>,
    %get3A_15 = arith.constant 0 : index
    %get3A_16 = arith.constant 0 : index
    %get3A_17 = vector.load %arg4[%get3A_15, %get3A_16] : memref<2000x128xf32, #tpu.memory_space<vmem>>, vector<2000x128xf32>
    %get3A_18 = arith.constant 0 : index
    %get3A_19 = arith.constant 0 : index
    %get3A_20 = vector.load %arg2[%get3A_18, %get3A_19] : memref<128x128xf32, #tpu.memory_space<vmem>>, vector<128x128xf32>
    %transpose3A_21 = tpu.transpose %get3A_20, [1, 0] : vector<128x128xf32> -> vector<128x128xf32>
    %dot_general3A_22 = arith.constant dense<0.000000e+00> : vector<2000x128xf32>
    %dot_general3A_23 = tpu.matmul %get3A_17, %transpose3A_21, %dot_general3A_22 {dimension_numbers = #tpu.dot_dimension_numbers<[1], [0], [0], [1], [0, 0, 1, 1], [], []>, precision = #tpu.contract_precision<fp32>, transpose_lhs_hint = false} : vector<2000x128xf32>, vector<128x128xf32>, vector<2000x128xf32> -> vector<2000x128xf32>
    %swap3A_24 = arith.constant 0 : index
    %swap3A_25 = arith.constant 0 : index
    %swap3A_26 = vector.load %arg6[%swap3A_24, %swap3A_25] : memref<2000x128xf32, #tpu.memory_space<vmem>>, vector<2000x128xf32>
    tpu.vector_store %arg6[%swap3A_24, %swap3A_25], %dot_general3A_23 {strides = array<i32>} : memref<2000x128xf32, #tpu.memory_space<vmem>>, vector<2000x128xf32>,
    return
  }
  func.func @transform_0(%arg0: i32) -> (i32, i32) {
    %c0_i32 = arith.constant 0 : i32
    %c0_i32_0 = arith.constant 0 : i32
    %c0_i32_1 = arith.constant 0 : i32
    return %c0_i32, %c0_i32_0 : i32, i32
  }
  func.func @transform_1(%arg0: i32) -> (i32, i32) {
    %c0_i32 = arith.constant 0 : i32
    %c0_i32_0 = arith.constant 0 : i32
    %c0_i32_1 = arith.constant 0 : i32
    return %c0_i32, %c0_i32_0 : i32, i32
  }
  func.func @transform_2(%arg0: i32) -> (i32, i32) {
    %c0_i32 = arith.constant 0 : i32
    %c0_i32_0 = arith.constant 0 : i32
    return %arg0, %c0_i32 : i32, i32
  }
  func.func @transform_3(%arg0: i32) -> (i32, i32) {
    %c0_i32 = arith.constant 0 : i32
    %c0_i32_0 = arith.constant 0 : i32
    return %arg0, %c0_i32 : i32, i32
  }
  func.func @transform_4(%arg0: i32) -> (i32, i32) {
    %c0_i32 = arith.constant 0 : i32
    %c0_i32_0 = arith.constant 0 : i32
    return %arg0, %c0_i32 : i32, i32
  }
  func.func @transform_5(%arg0: i32) -> (i32, i32) {
    %c0_i32 = arith.constant 0 : i32
    %c0_i32_0 = arith.constant 0 : i32
    return %arg0, %c0_i32 : i32, i32
  }
}

module attributes {stable_mosaic.version = 14 : i64} {
  func.func @_tc_scale_body(%arg0: i32, %arg1: memref<2048x128xf32, #tpu.memory_space<vmem>>, %arg2: memref<2x2048x128xf32, #tpu.memory_space<vmem>>, %arg3: memref<2048x128xf32, #tpu.memory_space<vmem>>) attributes {dimension_semantics = [#tpu.dimension_semantics<arbitrary>], iteration_bounds = array<i64: 5>, scalar_prefetch = 0 : i64, scratch_operands = 0 : i64, tpu.core_type = #tpu.core_type<tc>, window_params = [{transform_indices = @transform_0, window_bounds = array<i64: 2048, 128>}, {transform_indices = @transform_1, window_bounds = array<i64: 2, 2048, 128>}, {transform_indices = @transform_2, window_bounds = array<i64: 2048, 128>}]} {
    %mul3A = arith.constant 2048 : i32
    %mul3A_0 = arith.muli %arg0, %mul3A : i32
    %iota3A = tpu.iota {dimensions = array<i32: 0>} : vector<2048x1xi32>
    %add3A = vector.broadcast %mul3A_0 : i32 to vector<2048x1xi32>
    %add3A_1 = arith.addi %add3A, %iota3A : vector<2048x1xi32>
    %get3A = arith.constant 0 : index
    %get3A_2 = arith.constant 0 : index
    %get3A_3 = arith.constant 0 : index
    %get3A_4 = vector.load %arg2[%get3A, %get3A_2, %get3A_3] : memref<2x2048x128xf32, #tpu.memory_space<vmem>>, vector<1x2048x1xf32>
    %get3A_5 = vector.shape_cast %get3A_4 : vector<1x2048x1xf32> to vector<2048x1xf32>
    %get3A_6 = arith.constant 1 : index
    %get3A_7 = arith.constant 0 : index
    %get3A_8 = arith.constant 0 : index
    %get3A_9 = vector.load %arg2[%get3A_6, %get3A_7, %get3A_8] : memref<2x2048x128xf32, #tpu.memory_space<vmem>>, vector<1x2048x1xf32>
    %get3A_10 = vector.shape_cast %get3A_9 : vector<1x2048x1xf32> to vector<2048x1xf32>
    %add3A_11 = arith.addf %get3A_5, %get3A_10 : vector<2048x1xf32>
    %add3A_12 = arith.constant 1.000000e+00 : f32
    %add3A_13 = vector.broadcast %add3A_12 : f32 to vector<2048x1xf32>
    %add3A_14 = arith.addf %add3A_11, %add3A_13 : vector<2048x1xf32>
    %lt3A = arith.constant 10000 : i32
    %lt3A_15 = vector.broadcast %lt3A : i32 to vector<2048x1xi32>
    %lt3A_16 = arith.cmpi slt, %add3A_1, %lt3A_15 : vector<2048x1xi32>
    %get3A_17 = arith.constant 0 : index
    %get3A_18 = arith.constant 0 : index
    %get3A_19 = vector.load %arg1[%get3A_17, %get3A_18] : memref<2048x128xf32, #tpu.memory_space<vmem>>, vector<2048x128xf32>
    %rsqrt3A = math.rsqrt %add3A_14 : vector<2048x1xf32>
    %mul3A_20 = vector.broadcast %rsqrt3A : vector<2048x1xf32> to vector<2048x128xf32>
    %mul3A_21 = arith.mulf %get3A_19, %mul3A_20 : vector<2048x128xf32>
    %jit3A = arith.constant 0.000000e+00 : f32
    %broadcast_in_dim3A = vector.shape_cast %lt3A_16 : vector<2048x1xi1> to vector<2048x1xi1>
    %broadcast_in_dim3A_22 = vector.broadcast %broadcast_in_dim3A : vector<2048x1xi1> to vector<2048x128xi1>
    %broadcast_in_dim3A_23 = vector.broadcast %jit3A : f32 to vector<2048x128xf32>
    %select_n3A = arith.select %broadcast_in_dim3A_22, %mul3A_21, %broadcast_in_dim3A_23 : vector<2048x128xi1>, vector<2048x128xf32>
    %swap3A = arith.constant 0 : index
    %swap3A_24 = arith.constant 0 : index
    %swap3A_25 = vector.load %arg3[%swap3A, %swap3A_24] : memref<2048x128xf32, #tpu.memory_space<vmem>>, vector<2048x128xf32>
    tpu.vector_store %arg3[%swap3A, %swap3A_24], %select_n3A {strides = array<i32>} : memref<2048x128xf32, #tpu.memory_space<vmem>>, vector<2048x128xf32>,
    return
  }
  func.func @transform_0(%arg0: i32) -> (i32, i32) {
    %c0_i32 = arith.constant 0 : i32
    %c0_i32_0 = arith.constant 0 : i32
    return %arg0, %c0_i32 : i32, i32
  }
  func.func @transform_1(%arg0: i32) -> (i32, i32, i32) {
    %c0_i32 = arith.constant 0 : i32
    %c0_i32_0 = arith.constant 0 : i32
    %c0_i32_1 = arith.constant 0 : i32
    return %c0_i32, %arg0, %c0_i32_0 : i32, i32, i32
  }
  func.func @transform_2(%arg0: i32) -> (i32, i32) {
    %c0_i32 = arith.constant 0 : i32
    %c0_i32_0 = arith.constant 0 : i32
    return %arg0, %c0_i32 : i32, i32
  }
}

module attributes {stable_mosaic.version = 14 : i64} {
  func.func @_tc_final_body(%arg0: i32, %arg1: memref<2x2000x128xf32, #tpu.memory_space<vmem>>, %arg2: memref<2000x128xf32, #tpu.memory_space<vmem>>, %arg3: memref<2000x128xf32, #tpu.memory_space<vmem>>, %arg4: memref<2x2000x128xf32, #tpu.memory_space<vmem>>, %arg5: memref<2000x128xf32, #tpu.memory_space<vmem>>) attributes {dimension_semantics = [#tpu.dimension_semantics<arbitrary>], iteration_bounds = array<i64: 5>, scalar_prefetch = 0 : i64, scratch_operands = 0 : i64, tpu.core_type = #tpu.core_type<tc>, window_params = [{transform_indices = @transform_0, window_bounds = array<i64: 2, 2000, 128>}, {transform_indices = @transform_1, window_bounds = array<i64: 2000, 128>}, {transform_indices = @transform_2, window_bounds = array<i64: 2000, 128>}, {transform_indices = @transform_3, window_bounds = array<i64: 2, 2000, 128>}, {transform_indices = @transform_4, window_bounds = array<i64: 2000, 128>}]} {
    %get3A = arith.constant 0 : index
    %get3A_0 = arith.constant 0 : index
    %get3A_1 = arith.constant 0 : index
    %get3A_2 = vector.load %arg4[%get3A, %get3A_0, %get3A_1] : memref<2x2000x128xf32, #tpu.memory_space<vmem>>, vector<1x2000x1xf32>
    %get3A_3 = vector.shape_cast %get3A_2 : vector<1x2000x1xf32> to vector<2000x1xf32>
    %get3A_4 = arith.constant 1 : index
    %get3A_5 = arith.constant 0 : index
    %get3A_6 = arith.constant 0 : index
    %get3A_7 = vector.load %arg4[%get3A_4, %get3A_5, %get3A_6] : memref<2x2000x128xf32, #tpu.memory_space<vmem>>, vector<1x2000x1xf32>
    %get3A_8 = vector.shape_cast %get3A_7 : vector<1x2000x1xf32> to vector<2000x1xf32>
    %add3A = arith.addf %get3A_3, %get3A_8 : vector<2000x1xf32>
    %add3A_9 = arith.constant 1.000000e+00 : f32
    %add3A_10 = vector.broadcast %add3A_9 : f32 to vector<2000x1xf32>
    %add3A_11 = arith.addf %add3A, %add3A_10 : vector<2000x1xf32>
    %rsqrt3A = math.rsqrt %add3A_11 : vector<2000x1xf32>
    %get3A_12 = arith.constant 0 : index
    %get3A_13 = arith.constant 0 : index
    %get3A_14 = arith.constant 0 : index
    %get3A_15 = vector.load %arg1[%get3A_12, %get3A_13, %get3A_14] : memref<2x2000x128xf32, #tpu.memory_space<vmem>>, vector<1x2000x128xf32>
    %get3A_16 = vector.shape_cast %get3A_15 : vector<1x2000x128xf32> to vector<2000x128xf32>
    %get3A_17 = arith.constant 1 : index
    %get3A_18 = arith.constant 0 : index
    %get3A_19 = arith.constant 0 : index
    %get3A_20 = vector.load %arg1[%get3A_17, %get3A_18, %get3A_19] : memref<2x2000x128xf32, #tpu.memory_space<vmem>>, vector<1x2000x128xf32>
    %get3A_21 = vector.shape_cast %get3A_20 : vector<1x2000x128xf32> to vector<2000x128xf32>
    %add3A_22 = arith.addf %get3A_16, %get3A_21 : vector<2000x128xf32>
    %get3A_23 = arith.constant 0 : index
    %get3A_24 = arith.constant 0 : index
    %get3A_25 = vector.load %arg2[%get3A_23, %get3A_24] : memref<2000x128xf32, #tpu.memory_space<vmem>>, vector<2000x128xf32>
    %add3A_26 = arith.addf %add3A_22, %get3A_25 : vector<2000x128xf32>
    %mul3A = vector.broadcast %rsqrt3A : vector<2000x1xf32> to vector<2000x128xf32>
    %mul3A_27 = arith.mulf %add3A_26, %mul3A : vector<2000x128xf32>
    %get3A_28 = arith.constant 0 : index
    %get3A_29 = arith.constant 0 : index
    %get3A_30 = vector.load %arg3[%get3A_28, %get3A_29] : memref<2000x128xf32, #tpu.memory_space<vmem>>, vector<2000x128xf32>
    %add3A_31 = arith.addf %mul3A_27, %get3A_30 : vector<2000x128xf32>
    %max3A = arith.constant 0.000000e+00 : f32
    %max3A_32 = vector.broadcast %max3A : f32 to vector<2000x128xf32>
    %max3A_33 = arith.maximumf %add3A_31, %max3A_32 : vector<2000x128xf32>
    %swap3A = arith.constant 0 : index
    %swap3A_34 = arith.constant 0 : index
    %swap3A_35 = vector.load %arg5[%swap3A, %swap3A_34] : memref<2000x128xf32, #tpu.memory_space<vmem>>, vector<2000x128xf32>
    tpu.vector_store %arg5[%swap3A, %swap3A_34], %max3A_33 {strides = array<i32>} : memref<2000x128xf32, #tpu.memory_space<vmem>>, vector<2000x128xf32>,
    return
  }
  func.func @transform_0(%arg0: i32) -> (i32, i32, i32) {
    %c0_i32 = arith.constant 0 : i32
    %c0_i32_0 = arith.constant 0 : i32
    %c0_i32_1 = arith.constant 0 : i32
    return %c0_i32, %arg0, %c0_i32_0 : i32, i32, i32
  }
  func.func @transform_1(%arg0: i32) -> (i32, i32) {
    %c0_i32 = arith.constant 0 : i32
    %c0_i32_0 = arith.constant 0 : i32
    return %arg0, %c0_i32 : i32, i32
  }
  func.func @transform_2(%arg0: i32) -> (i32, i32) {
    %c0_i32 = arith.constant 0 : i32
    %c0_i32_0 = arith.constant 0 : i32
    return %arg0, %c0_i32 : i32, i32
  }
  func.func @transform_3(%arg0: i32) -> (i32, i32, i32) {
    %c0_i32 = arith.constant 0 : i32
    %c0_i32_0 = arith.constant 0 : i32
    %c0_i32_1 = arith.constant 0 : i32
    return %c0_i32, %arg0, %c0_i32_0 : i32, i32, i32
  }
  func.func @transform_4(%arg0: i32) -> (i32, i32) {
    %c0_i32 = arith.constant 0 : i32
    %c0_i32_0 = arith.constant 0 : i32
    return %arg0, %c0_i32 : i32, i32
  }
}

</mosaic_0001>

<sc_bundles>
// kernel: kernel.10.cloned.1.call-start
scs
__scs_entry_jumppad:
0x0: {  	(pc) =	sbr.rel $0x88, $3  }
0x1: {  	(tag) =	ssettag $0x0;
	lr =	simm.s32 $0x1  }
0x2: {  	[smem:$0x3F9C] =	sst lr;
	_ =	strace $0xD0000000  }
0x3: {  	_ = 	snop  }
0x4: {  	_ = 	snop  }
0x5: {  	_ = 	snop  }
0x6: {  	_ = 	snop  }
0x7: {  	_ = 	snop  }
__scs_overlays_trampoline_lowered:
0x8: {  	[smem:$0x3FAB] =	sst s0  }
0x9: {  	[smem:$0x3FAC] =	sst s1  }
0xa: {  	[smem:$0x3FAD] =	sst s2  }
0xb: {  	[smem:$0x3FAE] =	sst s3  }
0xc: {  	[smem:$0x3FAF] =	sst s4  }
0xd: {  	[smem:$0x3FB0] =	sst s5  }
0xe: {  	[smem:$0x3FB1] =	sst s6  }
0xf: {  	[smem:$0x3FB2] =	sst s7  }
0x10: {  	[smem:$0x3FB3] =	sst s8  }
0x11: {  	[smem:$0x3FB4] =	sst s9;
	s0 =	simm.s32 @!p0 $0x0  }
0x12: {  	s1 =	sld [smem:$0x3F9A];
	s0 =	simm.s32 @p0 $0x1  }
0x13: {  	[smem:$0x3FB5] =	sst s0;
	s0 =	simm.s32 @!p1 $0x0  }
0x14: {  	s2 =	sld [smem:$0x3F99];
	s0 =	simm.s32 @p1 $0x1  }
0x15: {  	[smem:$0x3FB6] =	sst s0;
	s0 =	simm.s32 @!p2 $0x0  }
0x16: {  	s3 =	sld [smem:$0x3FDB];
	s0 =	simm.s32 @p2 $0x1  }
0x17: {  	s4 =	simm.s32 $0x1BF5;
	[smem:$0x3FB8] =	sst s0  }
0x18: {  	s0 =	sld [smem:$0x3F9B];
	_ =	swait.ge [sflag:s4], $0x0  }
0x19: {  	s7 =	sld [smem:$0x3F9C]  }
0x1a: {  	s8 =	sadd.s32 $0xFFFFE003, lr  }
0x1b: {  	s9 =	sadd.s32 $0xFFFFFEF7, lr;
	s5 =	simm.s32 $0xFFFFFFFF;
	p2 =	slt.u32 s8, $0xFFFFF086  }
0x1c: {  	p1 =	slt.u32 s9, $0xF7A;
	s5 =	simm.s32 @!p2 $0x0  }
0x1d: {  	s5 =	simm.s32 @p1 $0x1;
	p0 =	seq.s32 s7, s2  }
0x1e: {  	s7 =	smul.u32 @!p0 $0xF7A, s2;
	p2 =	seq.s32 @!p0 s5, $0x0  }
0x1f: {  	s9 =	smul.u32 $0xF7A, s1;
	s8 =	simm.s32 @!p0 $0x1BF5;
	p2 =	por !p2, p0  }
0x20: {  	[sflag:s8] =	ssyncset.s32 @!p0 $0xFFFFF086;
	s6 =	sadd.s32 @!p0 s3, s7;
	s7 =	simm.s32 @!p0 $0x108  }
0x21: {  	s3 =	sadd.s32 s3, s9;
	s6 =	sadd.s32 @!p0 $0x88, s6;
	s7 =	simm.s32 @p2 $0x1082  }
0x22: {  	[simem:s7], [sflag:s8] =	dma.local @!p0 [hbm:s6], $0xF7A  }
0x23: {  	s9 =	sor.u32 $0xD0000000, s2;
	s6 =	simm.s32 $0x108;
	_ =	swait.ge @!p0 [sflag:s8], $0x0  }
0x24: {  	s3 =	sadd.s32 $0x88, s3;
	s6 =	simm.s32 @!p1 $0x1082;
	[sflag:s4] =	ssyncset.s32 $0xFFFFF086  }
0x25: {  	[simem:s6], [sflag:s4] =	dma.local [hbm:s3], $0xF7A  }
0x26: {  	[smem:$0x3F9C] =	sst s1;
	(tag) =	ssettag s2;
	_ =	strace s9  }
0x27: {  	s1 =	sld [smem:$0x3FAC]  }
0x28: {  	s2 =	sld [smem:$0x3FAD]  }
0x29: {  	s4 =	sld [smem:$0x3FAF]  }
0x2a: {  	p0 =	seq.s32 s5, $0x0;
	s5 =	sld [smem:$0x3FB0]  }
0x2b: {  	s6 =	sld [smem:$0x3FB1]  }
0x2c: {  	s7 =	sld [smem:$0x3FB2]  }
0x2d: {  	s3 =	simm.s32 $0x108;
	s8 =	sld [smem:$0x3FB3]  }
0x2e: {  	s3 =	simm.s32 @!p0 $0x1082;
	s9 =	sld [smem:$0x3FB4]  }
0x2f: {  	lr =	sadd.s32 s0, s3;
	s0 =	sld [smem:$0x3FAB]  }
0x30: {  	s3 =	sld [smem:$0x3FAE]  }
0x31: {  	[smem:$0x3FB7] =	sst s10  }
0x32: {  	s10 =	sld [smem:$0x3FB5];
	_ =	sdelay $0x3  }
0x33: {  	p0 =	seq.s32 s10, $0x1;
	s10 =	sld [smem:$0x3FB7];
	_ =	sdelay $0x3  }
0x34: {  	[smem:$0x3FB7] =	sst s10  }
0x35: {  	s10 =	sld [smem:$0x3FB6];
	_ =	sdelay $0x3  }
0x36: {  	p1 =	seq.s32 s10, $0x1;
	s10 =	sld [smem:$0x3FB7];
	_ =	sdelay $0x3  }
0x37: {  	[smem:$0x3FB7] =	sst s10  }
0x38: {  	s10 =	sld [smem:$0x3FB8]  }
0x39: {  	_ = 	snop;
	(pc) =	sbr.ind lr, $3  }
0x3a: {  	_ = 	snop  }
0x3b: {  	_ = 	snop  }
0x3c: {  	p2 =	seq.s32 s10, $0x1;
	s10 =	sld [smem:$0x3FB7]  }
0x3d: {  	_ =	shalt  }
0x3e: {  	_ =	shalt  }
0x3f: {  	_ =	shalt  }
0x40: {  	_ =	shalt  }
0x41: {  	_ =	shalt  }
0x42: {  	_ =	shalt  }
0x43: {  	_ =	shalt  }
0x44: {  	_ =	shalt  }
0x45: {  	_ =	shalt  }
0x46: {  	_ =	shalt  }
0x47: {  	_ =	shalt  }
0x48: {  	_ =	shalt  }
0x49: {  	_ =	shalt  }
0x4a: {  	_ =	shalt  }
0x4b: {  	_ =	shalt  }
0x4c: {  	_ =	shalt  }
0x4d: {  	_ =	shalt  }
0x4e: {  	_ =	shalt  }
0x4f: {  	_ =	shalt  }
0x50: {  	_ =	shalt  }
0x51: {  	_ =	shalt  }
0x52: {  	_ =	shalt  }
0x53: {  	_ =	shalt  }
0x54: {  	_ =	shalt  }
0x55: {  	_ =	shalt  }
0x56: {  	_ =	shalt  }
0x57: {  	_ =	shalt  }
0x58: {  	_ =	shalt  }
0x59: {  	_ =	shalt  }
0x5a: {  	_ =	shalt  }
0x5b: {  	_ =	shalt  }
0x5c: {  	_ =	shalt  }
0x5d: {  	_ =	shalt  }
0x5e: {  	_ =	shalt  }
0x5f: {  	_ =	shalt  }
0x60: {  	_ =	shalt  }
0x61: {  	_ =	shalt  }
0x62: {  	_ =	shalt  }
0x63: {  	_ =	shalt  }
0x64: {  	_ =	shalt  }
0x65: {  	_ =	shalt  }
0x66: {  	_ =	shalt  }
0x67: {  	_ =	shalt  }
0x68: {  	_ =	shalt  }
0x69: {  	_ =	shalt  }
0x6a: {  	_ =	shalt  }
0x6b: {  	_ =	shalt  }
0x6c: {  	_ =	shalt  }
0x6d: {  	_ =	shalt  }
0x6e: {  	_ =	shalt  }
0x6f: {  	_ =	shalt  }
0x70: {  	_ =	shalt  }
0x71: {  	_ =	shalt  }
0x72: {  	_ =	shalt  }
0x73: {  	_ =	shalt  }
0x74: {  	_ =	shalt  }
0x75: {  	_ =	shalt  }
0x76: {  	_ =	shalt  }
0x77: {  	_ =	shalt  }
0x78: {  	_ =	shalt  }
0x79: {  	_ =	shalt  }
0x7a: {  	_ =	shalt  }
0x7b: {  	_ =	shalt  }
0x7c: {  	_ =	shalt  }
0x7d: {  	_ =	shalt  }
0x7e: {  	_ =	shalt  }
0x7f: {  	_ =	shalt  }
0x80: {  	_ =	shalt  }
0x81: {  	_ =	shalt  }
0x82: {  	_ =	shalt  }
0x83: {  	_ =	shalt  }
0x84: {  	_ =	shalt  }
0x85: {  	_ =	shalt  }
0x86: {  	_ =	shalt  }
0x87: {  	_ =	shalt  }
.Lfunc_end0:
.L_simem_size_0:
called_computation.1_lowered:
.L_overlay_start_0:
0x88: {  	s2 =	sld [smem:$0x3FD9]  }
0x89: {  	s3 =	sld [smem:$0x3FFE];
	_ =	sdelay $0x1  }
0x8a: {  	s1 =	srdreg.scid  }
0x8b: {  	s0 =	sand.u32 $0x1, s1  }
0x8c: {  	s17 =	sshll.u32 s0, $0xA;
	s2 =	sadd.s32 s3, s2  }
0x8d: {  	s2 =	sadd.s32 s2, s17  }
0x8e: {  	[smem:$0x3FC3] =	sst s2  }
0x8f: {  	_ = 	snop  }
0x90: {  	s2 =	sld [smem:$0x3FD0];
	(tm) =	ssettm $0x1  }
0x91: {  	s18 =	sld [smem:$0x3FFB];
	_ =	sdelay $0x3  }
0x92: {  	_ =	strace s18  }
0x93: {  	s3 =	sld [smem:$0x3FFC];
	_ =	sdelay $0x3  }
0x94: {  	_ =	strace s3  }
0x95: {  	s3 =	sld [smem:$0x3FFD];
	_ =	sdelay $0x3  }
0x96: {  	_ =	strace s3  }
0x97: {  	_ =	strace $0x8FFFFFFF  }
0x98: {  	s19 =	sld [smem:$0x3FDB];
	_ =	sdelay $0x1  }
0x99: {  	s4 =	simm.s32 $_scs_section_size  }
0x9a: {  	s5 =	simm.s32 $_size__tile_overlayer_lowered;
	s6 =	simm.s32 $_tile_overlayer_lowered  }
0x9b: {  	s22 =	simm.s32 $0x1BFF;
	s21 =	sshll.u32 s6, $0x1;
	s3 =	sadd.s32 s4, s19  }
0x9c: {  	s7 =	simm.s32 $0x0;
	s20 =	sshll.u32 s5, $0x1;
	s5 =	sadd.s32 s21, s3  }
0x9d: {  	[timem:s7], [sflag:s22] =	dma.local [hbm:s5], s20  }
0x9e: {  	_ =	swait.ge [sflag:s22], s20  }
0x9f: {  	s4 =	ssub.s32 $0x0, s20;
	[sflag:s22] =	ssyncset.done $0x0  }
0xa0: {  	[sflag:s22] =	ssyncadd.s32 s4;
	_ =	sdelay $0x1  }
0xa1: {  	s23 =	simm.s32 $0x1B8B  }
0xa2: {  	_ =	swait.ge [sflag:s23], $0x1  }
0xa3: {  	[sflag:s23] =	ssyncset.done $0x0  }
0xa4: {  	s25 =	simm.s32 $0x1B8E;
	s24 =	sld [smem:$0x3FFE];
	[sflag:s23] =	ssyncadd.s32 $0xFFFFFFFF  }
0xa5: {  	s26 =	simm.s32 $execute0_lowered;
	[smem:$0x3FD2] =	sst s25  }
0xa6: {  	s5 =	sshll.u32 s26, $0x1;
	_ =	strace $0x80000049;
	[dreg:$0x1] =	wrdreg $0xFFFFFFFF  }
0xa7: {  	s28 =	simm.s32 $_size_execute0_lowered;
	s3 =	sadd.s32 s3, s5;
	[dreg:$0x0] =	wrdreg $0x0  }
0xa8: {  	s5 =	sshll.u32 s28, $0x1;
	[dreg:$0x2] =	wrdreg s3  }
0xa9: {  	[dreg:$0x3] =	wrdreg s5  }
0xaa: {  	[dreg:$0x4] =	wrdreg $0xC0  }
0xab: {  	_ =	task [dreg:s7], $0x5FFFF  }
0xac: {  	[dreg:$0x1] =	wrdreg $0xFFFFFFFF  }
0xad: {  	[dreg:$0x0] =	wrdreg $0x60  }
0xae: {  	[dreg:$0x2] =	wrdreg s24  }
0xaf: {  	[dreg:$0x3] =	wrdreg s2  }
0xb0: {  	[dreg:$0x4] =	wrdreg $0xA8000  }
0xb1: {  	[dreg:$0x5] =	wrdreg $0x9  }
0xb2: {  	_ =	task.clear_ibuf [dreg:s7], $0x6FFFF;
	_ =	strace $0x90000049  }
0xb3: {  	s29 =	simm.s32 $0x9;
	_ =	strace $0x8000004B  }
0xb4: {  	_ =	swait.ge [sflag:s29], $0x1  }
0xb5: {  	[sflag:s29] =	ssyncadd.s32 $0xFFFFFFFF  }
0xb6: {  	_ =	strace $0x9000004B  }
0xb7: {  	_ =	sfence  }
0xb8: {  	s30 =	sld [smem:$0x0];
	_ =	sdelay $0x2  }
0xb9: {  	s31 =	sshll.u32 s1, $0xD;
	s1 =	sshrl.u32 s1, $0x2  }
0xba: {  	s3 =	sand.u32 $0x4000, s31;
	s1 =	sadd.s32 s1, s30  }
0xbb: {  	s0 =	sor.u32 s3, s0;
	s1 =	sshll.u32 s1, $0x11  }
0xbc: {  	s0 =	sor.u32 s1, s0  }
0xbd: {  	s0 =	sadd.s32 $0x8F2B, s0  }
0xbe: {  	[sflag:s0] =	ssyncadd.remote.s32 $0x1  }
0xbf: {  	_ =	sfence.sel $0xFFFF  }
0xc0: {  	[dreg:$0x0] =	wrdreg $0xFFFFFFFF;
	(pc) =	sbr.abs _section_cstart, $3  }
0xc1: {  	[dreg:$0x1] =	wrdreg $0xFFFFFFFF  }
0xc2: {  	_ =	task.clear_ibuf [dreg:s7], $0x2FFFF;
	_ =	strace $0x9FFFFFFF  }
0xc3: {  	(tm) =	ssettm $0x7FFFFFFF  }
tec
execute0_lowered:
.L_overlay_start_1:
0x0: {  	(tag) =	ssettag $0x1  }
0x1: {  	s0 =	rddreg [dreg:$0x0]  }
0x2: {  	s3 =	rddreg [dreg:$0x1]  }
0x3: {  	s1 =	rddreg [dreg:$0x2];
	s2 =	simm.s32 $0x0;
	s4 =	srdreg.scid  }
0x4: {  	s12 =	stileid.u32;
	s28 =	simm.s32 $0x80;
	s29 =	simm.s32 $0x6800  }
0x5: {  	s30 =	simm.s32 $0x1;
	s31 =	simm.s32 $0x2;
	[smem:$0x7FF] =	sst s2  }
0x6: {  	s6 =	sand.u32 $0x1, s4;
	s4 =	sadd.s32 $0x5C600, s0;
	s7 =	smul.u32 $0x50000, s12  }
0x7: {  	s8 =	sadd.s32 $0x52600, s0;
	s0 =	sadd.s32 $0x84600, s0;
	s19 =	smul.u32 $0x14000, s12  }
0x8: {  	_ =	strace $0x8000004A;
	s5 =	sshll.u32 s6, $0x4;
	s9 =	ssub.s32 $0x2, s6  }
0x9: {  	s6 =	smul.u32 $0x140000, s6;
	s5 =	sor.u32 s12, s5;
	s14 =	sshrl.u32 s9, $0x1  }
0xa: {  	s7 =	sshrl.u32 s7, $0x2;
	s21 =	sadd.s32 $0x4000, s19;
	s23 =	sadd.s32 $0x8000, s19  }
0xb: {  	s24 =	sadd.s32 $0xC000, s19;
	s10 =	smul.u32 $0x2800, s5;
	s5 =	sadd.s32 s7, s1  }
0xc: {  	s11 =	ssub.s32 s9, s14;
	s20 =	sadd.s32 s6, s19;
	s12 =	sadd.s32 $0x8000, s5  }
0xd: {  	s13 =	sadd.s32 $0xC000, s5;
	s14 =	sadd.s32 $0x10000, s5;
	s15 =	sshrl.u32 s10, $0x3  }
0xe: {  	s10 =	smax.u32 s11, $0x1;
	s11 =	sadd.s32 $0x4000, s5;
	s16 =	sadd.s32 s8, s15  }
0xf: {  	s17 =	sadd.s32 $0x280, s15;
	s7 =	sadd.s32 s3, s15;
	[dreg:$0x4] =	wrdreg s16  }
0x10: {  	[dreg:$0x5] =	wrdreg s7;
	s18 =	sadd.s32 s8, s17;
	s3 =	sadd.s32 s3, s17  }
0x11: {  	s16 =	sadd.s32 s6, s21;
	s7 =	sadd.s32 $0x10000, s19;
	[dreg:$0x6] =	wrdreg s18  }
0x12: {  	[dreg:$0x7] =	wrdreg s3;
	s3 =	sshrl.u32 s20, $0x3;
	s22 =	sshrl.u32 s16, $0x3  }
0x13: {  	s16 =	sadd.s32 s21, s1;
	s18 =	sadd.s32 s23, s1;
	s20 =	sadd.s32 s6, s24  }
0x14: {  	s15 =	sadd.s32 s0, s3;
	s17 =	sadd.s32 s0, s22;
	s3 =	sadd.s32 s6, s23  }
0x15: {  	s25 =	sshrl.u32 s20, $0x3;
	s6 =	sadd.s32 s6, s7;
	s20 =	sadd.s32 s24, s1  }
0x16: {  	s22 =	sadd.s32 s7, s1;
	s24 =	simm.s32 $0x2800;
	s3 =	sshrl.u32 s3, $0x3  }
0x17: {  	s21 =	sadd.s32 s0, s25;
	s26 =	sshrl.u32 s6, $0x3;
	s25 =	simm.s32 $0x3  }
0x18: {  	s6 =	simm.s32 $0x0;
	s19 =	sadd.s32 s0, s3;
	s23 =	sadd.s32 s0, s26  }
0x19: {  	v0 =	vimm.f32 $0.0e+00;
	s26 =	simm.s32 $0x1400;
	s0 =	simm.s32 $0x2700;
	s3 =	simm.s32 $0x2780  }
.LBB2_1:
0x1a: {  	s7 =	simm.s32 $0x0;
	s8 =	simm.s32 $0x200  }
.LBB2_2:
0x1b: {  	p0 =	sne.s32 s8, $0xFE00;
	[tilespmem:s7+$0x2870] =	vst v0  }
0x1c: {  	[tilespmem:s7+$0x2800] =	vst v0  }
0x1d: {  	[tilespmem:s7+$0x2810] =	vst v0  }
.Ltmp0:
0x1e: {  	[tilespmem:s7+$0x2820] =	vst v0;
	(pc) =	sbr.rel @p0 .LBB2_2-.Ltmp0, $4  }
0x1f: {  	[tilespmem:s7+$0x2830] =	vst v0  }
0x20: {  	[tilespmem:s7+$0x2840] =	vst v0  }
0x21: {  	[tilespmem:s7+$0x2850] =	vst v0  }
0x22: {  	[tilespmem:s7+$0x2860] =	vst v0;
	s7 =	sshra.s32 s8, $0x2;
	s8 =	sadd.s32 $0x200, s8  }
0x23: {  	[tilespmem:s7+$0x2870] =	vst v0  }
0x24: {  	[tilespmem:s7+$0x2800] =	vst v0  }
0x25: {  	[tilespmem:s7+$0x2810] =	vst v0  }
0x26: {  	[tilespmem:s7+$0x2820] =	vst v0  }
0x27: {  	[tilespmem:s7+$0x2830] =	vst v0  }
0x28: {  	[tilespmem:s7+$0x2840] =	vst v0  }
0x29: {  	[tilespmem:s7+$0x2850] =	vst v0  }
0x2a: {  	[tilespmem:s7+$0x2860] =	vst v0  }
0x2b: {  	[spmem:s5] =	stream.linear.scatter [tilespmem:s24], [sflag:$0x3], $0x4000, $0x38;
	[tilespmem:$0x1E800] =	vst v63  }
0x2c: {  	_ =	swait.ge [sflag:s25], $0x4000  }
0x2d: {  	[sflag:s25] =	ssyncset.done $0x0  }
0x2e: {  	[sflag:s25] =	ssyncadd.s32 $0xFFFFC000  }
0x2f: {  	[spmem:s11] =	stream.linear.scatter [tilespmem:s24], [sflag:$0x3], $0x4000, $0x38;
	[tilespmem:$0x1E800] =	vst v63  }
0x30: {  	_ =	swait.ge [sflag:s25], $0x4000  }
0x31: {  	[sflag:s25] =	ssyncset.done $0x0  }
0x32: {  	[sflag:s25] =	ssyncadd.s32 $0xFFFFC000  }
0x33: {  	[spmem:s12] =	stream.linear.scatter [tilespmem:s24], [sflag:$0x3], $0x4000, $0x38;
	[tilespmem:$0x1E800] =	vst v63  }
0x34: {  	_ =	swait.ge [sflag:s25], $0x4000  }
0x35: {  	[sflag:s25] =	ssyncset.done $0x0  }
0x36: {  	[sflag:s25] =	ssyncadd.s32 $0xFFFFC000  }
0x37: {  	[spmem:s13] =	stream.linear.scatter [tilespmem:s24], [sflag:$0x3], $0x4000, $0x38;
	[tilespmem:$0x1E800] =	vst v63  }
0x38: {  	_ =	swait.ge [sflag:s25], $0x4000  }
0x39: {  	[sflag:s25] =	ssyncset.done $0x0  }
0x3a: {  	[sflag:s25] =	ssyncadd.s32 $0xFFFFC000  }
0x3b: {  	[spmem:s14] =	stream.linear.scatter [tilespmem:s24], [sflag:$0x3], $0x4000, $0x38;
	[tilespmem:$0x1E800] =	vst v63  }
0x3c: {  	_ =	swait.ge [sflag:s25], $0x4000  }
0x3d: {  	[sflag:s25] =	ssyncset.done $0x0  }
0x3e: {  	s7 =	simm.s32 $0x0;
	s8 =	rddreg [dreg:$0x4];
	[sflag:s25] =	ssyncadd.s32 $0xFFFFC000  }
0x3f: {  	[tilespmem:s7], [sflag:$0x3] =	stream.linear.gather [hbm4b:s8+s7], $0x1400, $0x38;
	[tilespmem:$0x1E800] =	vst v63  }
0x40: {  	_ =	swait.ge [sflag:s25], $0x1400  }
0x41: {  	[sflag:s25] =	ssyncset.done $0x0  }
0x42: {  	s9 =	rddreg [dreg:$0x5];
	[sflag:s25] =	ssyncadd.s32 $0xFFFFEC00  }
0x43: {  	[tilespmem:s26], [sflag:$0x3] =	stream.linear.gather [hbm4b:s9+s7], $0x1400, $0x38;
	[tilespmem:$0x1E800] =	vst v63  }
0x44: {  	_ =	swait.ge [sflag:s25], $0x1400  }
0x45: {  	[sflag:s25] =	ssyncset.done $0x0  }
0x46: {  	[sflag:s25] =	ssyncadd.s32 $0xFFFFEC00  }
0x47: {  	[bflag:$0x0] =	sbarrier.arrive $0xFFFF  }
0x48: {  	[tilespmem:s24], [sflag:$0x1] =	stream.indirect.gather [hbm4b:s4+s28], $0x80, s7, s28, $0xb8;
	[tilespmem:$0x1E800] =	vst v63  }
0x49: {  	_ = 	snop  }
0x4a: {  	[tilespmem:s29], [sflag:$0x2] =	stream.indirect.gather [hbm4b:s4+s28], $0x80, s28, s28, $0xb8;
	[tilespmem:$0x1E800] =	vst v63  }
0x4b: {  	_ =	swait.ge [sflag:s30], $0x4000  }
0x4c: {  	[sflag:s30] =	ssyncset.done $0x0  }
0x4d: {  	s9 =	simm.s32 $0x1400;
	[sflag:s30] =	ssyncadd.s32 $0xFFFFC000  }
0x4e: {  	[spmem:s1] =	stream.indirect.scatter.add.f32 [tilespmem:s24], [sflag:$0x3], $0x80, s9, s28, $0xb8;
	[tilespmem:$0x1E800] =	vst v63  }
0x4f: {  	_ =	swait.ge [sflag:s25], $0x4000  }
0x50: {  	[sflag:s25] =	ssyncset.done $0x0  }
0x51: {  	s8 =	simm.s32 $0x100;
	[sflag:s25] =	ssyncadd.s32 $0xFFFFC000  }
0x52: {  	[tilespmem:s24], [sflag:$0x1] =	stream.indirect.gather [hbm4b:s4+s28], $0x80, s8, s28, $0xb8;
	[tilespmem:$0x1E800] =	vst v63  }
0x53: {  	_ =	swait.ge [sflag:s31], $0x4000  }
0x54: {  	[sflag:s31] =	ssyncset.done $0x0  }
0x55: {  	s9 =	simm.s32 $0x1480;
	[sflag:s31] =	ssyncadd.s32 $0xFFFFC000  }
0x56: {  	[spmem:s1] =	stream.indirect.scatter.add.f32 [tilespmem:s29], [sflag:$0x3], $0x80, s9, s28, $0xb8;
	[tilespmem:$0x1E800] =	vst v63  }
0x57: {  	_ =	swait.ge [sflag:s25], $0x4000  }
0x58: {  	[sflag:s25] =	ssyncset.done $0x0  }
0x59: {  	s7 =	simm.s32 $0x400;
	s8 =	simm.s32 $0x180;
	[sflag:s25] =	ssyncadd.s32 $0xFFFFC000  }
.LBB2_4:
0x5a: {  	[tilespmem:s29], [sflag:$0x2] =	stream.indirect.gather [hbm4b:s4+s28], $0x80, s8, s28, $0xb8;
	[tilespmem:$0x1E800] =	vst v63  }
0x5b: {  	s8 =	smov.u32 s7  }
0x5c: {  	p0 =	sne.s32 s7, $0x4800;
	s7 =	sadd.s32 $0x400, s7;
	_ =	swait.ge [sflag:s30], $0x4000  }
0x5d: {  	s8 =	sshra.s32 s8, $0x2;
	[sflag:s30] =	ssyncset.done $0x0  }
0x5e: {  	s9 =	sadd.s32 $0x1400, s8;
	[sflag:s30] =	ssyncadd.s32 $0xFFFFC000  }
0x5f: {  	[spmem:s1] =	stream.indirect.scatter.add.f32 [tilespmem:s24], [sflag:$0x3], $0x80, s9, s28, $0xb8;
	[tilespmem:$0x1E800] =	vst v63  }
0x60: {  	_ =	swait.ge [sflag:s25], $0x4000  }
0x61: {  	[sflag:s25] =	ssyncset.done $0x0  }
0x62: {  	s9 =	sadd.s32 $0x100, s8;
	[sflag:s25] =	ssyncadd.s32 $0xFFFFC000  }
0x63: {  	[tilespmem:s24], [sflag:$0x1] =	stream.indirect.gather [hbm4b:s4+s28], $0x80, s9, s28, $0xb8;
	[tilespmem:$0x1E800] =	vst v63  }
0x64: {  	_ =	swait.ge [sflag:s31], $0x4000  }
0x65: {  	[sflag:s31] =	ssyncset.done $0x0  }
.Ltmp1:
0x66: {  	s9 =	sadd.s32 $0x1480, s8;
	[sflag:s31] =	ssyncadd.s32 $0xFFFFC000;
	(pc) =	sbr.rel @p0 .LBB2_4-.Ltmp1, $4  }
0x67: {  	[spmem:s1] =	stream.indirect.scatter.add.f32 [tilespmem:s29], [sflag:$0x3], $0x80, s9, s28, $0xb8;
	[tilespmem:$0x1E800] =	vst v63  }
0x68: {  	_ =	swait.ge [sflag:s25], $0x4000  }
0x69: {  	[sflag:s25] =	ssyncset.done $0x0  }
0x6a: {  	s8 =	sadd.s32 $0x180, s8;
	[sflag:s25] =	ssyncadd.s32 $0xFFFFC000  }
0x6b: {  	[tilespmem:s29], [sflag:$0x2] =	stream.indirect.gather [hbm4b:s4+s28], $0x80, s8, s28, $0xb8;
	[tilespmem:$0x1E800] =	vst v63  }
0x6c: {  	_ =	swait.ge [sflag:s30], $0x4000  }
0x6d: {  	[sflag:s30] =	ssyncset.done $0x0  }
0x6e: {  	[sflag:s30] =	ssyncadd.s32 $0xFFFFC000  }
0x6f: {  	[spmem:s1] =	stream.indirect.scatter.add.f32 [tilespmem:s24], [sflag:$0x3], $0x80, s0, s28, $0xb8;
	[tilespmem:$0x1E800] =	vst v63  }
0x70: {  	_ =	swait.ge [sflag:s25], $0x4000  }
0x71: {  	[sflag:s25] =	ssyncset.done $0x0  }
0x72: {  	[sflag:s25] =	ssyncadd.s32 $0xFFFFC000  }
0x73: {  	_ =	swait.ge [sflag:s31], $0x4000  }
0x74: {  	[sflag:s31] =	ssyncset.done $0x0  }
0x75: {  	[sflag:s31] =	ssyncadd.s32 $0xFFFFC000  }
0x76: {  	[spmem:s1] =	stream.indirect.scatter.add.f32 [tilespmem:s29], [sflag:$0x3], $0x80, s3, s28, $0xb8;
	[tilespmem:$0x1E800] =	vst v63  }
0x77: {  	_ =	swait.ge [sflag:s25], $0x4000  }
0x78: {  	[sflag:s25] =	ssyncset.done $0x0  }
0x79: {  	s7 =	simm.s32 $0x0;
	s9 =	rddreg [dreg:$0x6];
	[sflag:s25] =	ssyncadd.s32 $0xFFFFC000  }
0x7a: {  	[tilespmem:s7], [sflag:$0x3] =	stream.linear.gather [hbm4b:s9+s7], $0x1400, $0x38;
	[tilespmem:$0x1E800] =	vst v63  }
0x7b: {  	_ =	swait.ge [sflag:s25], $0x1400  }
0x7c: {  	[sflag:s25] =	ssyncset.done $0x0  }
0x7d: {  	s9 =	rddreg [dreg:$0x7];
	[sflag:s25] =	ssyncadd.s32 $0xFFFFEC00  }
0x7e: {  	[tilespmem:s26], [sflag:$0x3] =	stream.linear.gather [hbm4b:s9+s7], $0x1400, $0x38;
	[tilespmem:$0x1E800] =	vst v63  }
0x7f: {  	_ =	swait.ge [sflag:s25], $0x1400  }
0x80: {  	[sflag:s25] =	ssyncset.done $0x0  }
0x81: {  	[sflag:s25] =	ssyncadd.s32 $0xFFFFEC00  }
0x82: {  	[tilespmem:s24], [sflag:$0x1] =	stream.indirect.gather [hbm4b:s4+s28], $0x80, s7, s28, $0xb8;
	[tilespmem:$0x1E800] =	vst v63  }
0x83: {  	_ = 	snop  }
0x84: {  	[tilespmem:s29], [sflag:$0x2] =	stream.indirect.gather [hbm4b:s4+s28], $0x80, s28, s28, $0xb8;
	[tilespmem:$0x1E800] =	vst v63  }
0x85: {  	_ =	swait.ge [sflag:s30], $0x4000  }
0x86: {  	[sflag:s30] =	ssyncset.done $0x0  }
0x87: {  	s9 =	simm.s32 $0x1400;
	[sflag:s30] =	ssyncadd.s32 $0xFFFFC000  }
0x88: {  	[spmem:s1] =	stream.indirect.scatter.add.f32 [tilespmem:s24], [sflag:$0x3], $0x80, s9, s28, $0xb8;
	[tilespmem:$0x1E800] =	vst v63  }
0x89: {  	_ =	swait.ge [sflag:s25], $0x4000  }
0x8a: {  	[sflag:s25] =	ssyncset.done $0x0  }
0x8b: {  	s8 =	simm.s32 $0x100;
	[sflag:s25] =	ssyncadd.s32 $0xFFFFC000  }
0x8c: {  	[tilespmem:s24], [sflag:$0x1] =	stream.indirect.gather [hbm4b:s4+s28], $0x80, s8, s28, $0xb8;
	[tilespmem:$0x1E800] =	vst v63  }
0x8d: {  	_ =	swait.ge [sflag:s31], $0x4000  }
0x8e: {  	[sflag:s31] =	ssyncset.done $0x0  }
0x8f: {  	s9 =	simm.s32 $0x1480;
	[sflag:s31] =	ssyncadd.s32 $0xFFFFC000  }
0x90: {  	[spmem:s1] =	stream.indirect.scatter.add.f32 [tilespmem:s29], [sflag:$0x3], $0x80, s9, s28, $0xb8;
	[tilespmem:$0x1E800] =	vst v63  }
0x91: {  	_ =	swait.ge [sflag:s25], $0x4000  }
0x92: {  	[sflag:s25] =	ssyncset.done $0x0  }
0x93: {  	s7 =	simm.s32 $0x400;
	s8 =	simm.s32 $0x180;
	[sflag:s25] =	ssyncadd.s32 $0xFFFFC000  }
.LBB2_6:
0x94: {  	[tilespmem:s29], [sflag:$0x2] =	stream.indirect.gather [hbm4b:s4+s28], $0x80, s8, s28, $0xb8;
	[tilespmem:$0x1E800] =	vst v63  }
0x95: {  	s8 =	smov.u32 s7  }
0x96: {  	p0 =	sne.s32 s7, $0x4800;
	s7 =	sadd.s32 $0x400, s7;
	_ =	swait.ge [sflag:s30], $0x4000  }
0x97: {  	s8 =	sshra.s32 s8, $0x2;
	[sflag:s30] =	ssyncset.done $0x0  }
0x98: {  	s9 =	sadd.s32 $0x1400, s8;
	[sflag:s30] =	ssyncadd.s32 $0xFFFFC000  }
0x99: {  	[spmem:s1] =	stream.indirect.scatter.add.f32 [tilespmem:s24], [sflag:$0x3], $0x80, s9, s28, $0xb8;
	[tilespmem:$0x1E800] =	vst v63  }
0x9a: {  	_ =	swait.ge [sflag:s25], $0x4000  }
0x9b: {  	[sflag:s25] =	ssyncset.done $0x0  }
0x9c: {  	s9 =	sadd.s32 $0x100, s8;
	[sflag:s25] =	ssyncadd.s32 $0xFFFFC000  }
0x9d: {  	[tilespmem:s24], [sflag:$0x1] =	stream.indirect.gather [hbm4b:s4+s28], $0x80, s9, s28, $0xb8;
	[tilespmem:$0x1E800] =	vst v63  }
0x9e: {  	_ =	swait.ge [sflag:s31], $0x4000  }
0x9f: {  	[sflag:s31] =	ssyncset.done $0x0  }
.Ltmp2:
0xa0: {  	s9 =	sadd.s32 $0x1480, s8;
	[sflag:s31] =	ssyncadd.s32 $0xFFFFC000;
	(pc) =	sbr.rel @p0 .LBB2_6-.Ltmp2, $4  }
0xa1: {  	[spmem:s1] =	stream.indirect.scatter.add.f32 [tilespmem:s29], [sflag:$0x3], $0x80, s9, s28, $0xb8;
	[tilespmem:$0x1E800] =	vst v63  }
0xa2: {  	_ =	swait.ge [sflag:s25], $0x4000  }
0xa3: {  	[sflag:s25] =	ssyncset.done $0x0  }
0xa4: {  	s8 =	sadd.s32 $0x180, s8;
	[sflag:s25] =	ssyncadd.s32 $0xFFFFC000  }
0xa5: {  	[tilespmem:s29], [sflag:$0x2] =	stream.indirect.gather [hbm4b:s4+s28], $0x80, s8, s28, $0xb8;
	[tilespmem:$0x1E800] =	vst v63  }
0xa6: {  	_ =	swait.ge [sflag:s30], $0x4000  }
0xa7: {  	[sflag:s30] =	ssyncset.done $0x0  }
0xa8: {  	[sflag:s30] =	ssyncadd.s32 $0xFFFFC000  }
0xa9: {  	[spmem:s1] =	stream.indirect.scatter.add.f32 [tilespmem:s24], [sflag:$0x3], $0x80, s0, s28, $0xb8;
	[tilespmem:$0x1E800] =	vst v63  }
0xaa: {  	_ =	swait.ge [sflag:s25], $0x4000  }
0xab: {  	[sflag:s25] =	ssyncset.done $0x0  }
0xac: {  	[sflag:s25] =	ssyncadd.s32 $0xFFFFC000  }
0xad: {  	_ =	swait.ge [sflag:s31], $0x4000  }
0xae: {  	[sflag:s31] =	ssyncset.done $0x0  }
0xaf: {  	[sflag:s31] =	ssyncadd.s32 $0xFFFFC000  }
0xb0: {  	[spmem:s1] =	stream.indirect.scatter.add.f32 [tilespmem:s29], [sflag:$0x3], $0x80, s3, s28, $0xb8;
	[tilespmem:$0x1E800] =	vst v63  }
0xb1: {  	_ =	swait.ge [sflag:s25], $0x4000  }
0xb2: {  	[sflag:s25] =	ssyncset.done $0x0  }
0xb3: {  	[sflag:s25] =	ssyncadd.s32 $0xFFFFC000  }
0xb4: {  	[bflag:$0x0] =	sbarrier.arrive $0xFFFF  }
0xb5: {  	[tilespmem:s29], [sflag:$0x3] =	stream.linear.gather [spmem:s5], $0x4000, $0x38;
	[tilespmem:$0x1E800] =	vst v63  }
0xb6: {  	_ =	swait.ge [sflag:s25], $0x4000  }
0xb7: {  	[sflag:s25] =	ssyncset.done $0x0  }
0xb8: {  	[sflag:s25] =	ssyncadd.s32 $0xFFFFC000  }
0xb9: {  	[hbm4b:s15+s2] =	stream.linear.scatter [tilespmem:s29], [sflag:$0x3], $0x4000, $0x38;
	[tilespmem:$0x1E800] =	vst v63  }
0xba: {  	_ =	swait.ge [sflag:s25], $0x4000  }
0xbb: {  	[sflag:s25] =	ssyncset.done $0x0  }
0xbc: {  	[sflag:s25] =	ssyncadd.s32 $0xFFFFC000  }
0xbd: {  	[tilespmem:s29], [sflag:$0x3] =	stream.linear.gather [spmem:s16], $0x4000, $0x38;
	[tilespmem:$0x1E800] =	vst v63  }
0xbe: {  	_ =	swait.ge [sflag:s25], $0x4000  }
0xbf: {  	[sflag:s25] =	ssyncset.done $0x0  }
0xc0: {  	[sflag:s25] =	ssyncadd.s32 $0xFFFFC000  }
0xc1: {  	[hbm4b:s17+s2] =	stream.linear.scatter [tilespmem:s29], [sflag:$0x3], $0x4000, $0x38;
	[tilespmem:$0x1E800] =	vst v63  }
0xc2: {  	_ =	swait.ge [sflag:s25], $0x4000  }
0xc3: {  	[sflag:s25] =	ssyncset.done $0x0  }
0xc4: {  	[sflag:s25] =	ssyncadd.s32 $0xFFFFC000  }
0xc5: {  	[tilespmem:s29], [sflag:$0x3] =	stream.linear.gather [spmem:s18], $0x4000, $0x38;
	[tilespmem:$0x1E800] =	vst v63  }
0xc6: {  	_ =	swait.ge [sflag:s25], $0x4000  }
0xc7: {  	[sflag:s25] =	ssyncset.done $0x0  }
0xc8: {  	[sflag:s25] =	ssyncadd.s32 $0xFFFFC000  }
0xc9: {  	[hbm4b:s19+s2] =	stream.linear.scatter [tilespmem:s29], [sflag:$0x3], $0x4000, $0x38;
	[tilespmem:$0x1E800] =	vst v63  }
0xca: {  	_ =	swait.ge [sflag:s25], $0x4000  }
0xcb: {  	[sflag:s25] =	ssyncset.done $0x0  }
0xcc: {  	[sflag:s25] =	ssyncadd.s32 $0xFFFFC000  }
0xcd: {  	[tilespmem:s29], [sflag:$0x3] =	stream.linear.gather [spmem:s20], $0x4000, $0x38;
	[tilespmem:$0x1E800] =	vst v63  }
0xce: {  	_ =	swait.ge [sflag:s25], $0x4000  }
0xcf: {  	[sflag:s25] =	ssyncset.done $0x0  }
0xd0: {  	[sflag:s25] =	ssyncadd.s32 $0xFFFFC000  }
0xd1: {  	[hbm4b:s21+s2] =	stream.linear.scatter [tilespmem:s29], [sflag:$0x3], $0x4000, $0x38;
	[tilespmem:$0x1E800] =	vst v63  }
0xd2: {  	_ =	swait.ge [sflag:s25], $0x4000  }
0xd3: {  	[sflag:s25] =	ssyncset.done $0x0  }
0xd4: {  	[sflag:s25] =	ssyncadd.s32 $0xFFFFC000  }
0xd5: {  	[tilespmem:s29], [sflag:$0x3] =	stream.linear.gather [spmem:s22], $0x4000, $0x38;
	[tilespmem:$0x1E800] =	vst v63  }
0xd6: {  	s6 =	sadd.s32 $0x1, s6;
	_ =	swait.ge [sflag:s25], $0x4000  }
0xd7: {  	p0 =	sne.s32 s6, s10;
	[sflag:s25] =	ssyncset.done $0x0  }
.Ltmp3:
0xd8: {  	[sflag:s25] =	ssyncadd.s32 $0xFFFFC000;
	(pc) =	sbr.rel @p0 .LBB2_1-.Ltmp3, $4  }
0xd9: {  	[hbm4b:s23+s2] =	stream.linear.scatter [tilespmem:s29], [sflag:$0x3], $0x4000, $0x38;
	[tilespmem:$0x1E800] =	vst v63  }
0xda: {  	_ =	swait.ge [sflag:s25], $0x4000  }
0xdb: {  	[sflag:s25] =	ssyncset.done $0x0  }
0xdc: {  	[sflag:s25] =	ssyncadd.s32 $0xFFFFC000  }
0xdd: {  	_ =	sfence.sel $0x180000  }
0xde: {  	[bflag:$0x0] =	sbarrier.arrive $0xFFFF  }
0xdf: {  	_ =	strace $0x9000004A  }
0xe0: {  	s0 =	stileid.u32;
	[bflag:$0x2] =	sbarrier.arrive $0xFFFF  }
0xe1: {  	p0 =	sne.s32 s0, $0x0;
	s0 =	rddreg [dreg:$0x3]  }
0xe2: {  	s0 =	sadd.s32 @!p0 $0x100000, s0  }
0xe3: {  	[sflag:s0] =	ssyncadd.tile.s32 @!p0 $0x1;
	_ =	shalt  }
.Lfunc_end2:
_tile_overlayer_lowered:
.L_overlay_start_2:
0xe4: {  	(tag) =	ssettag $0x2  }
0xe5: {  	s0 =	rddreg [dreg:$0x0];
	s2 =	stileid.u32  }
0xe6: {  	s1 =	rddreg [dreg:$0x1];
	p0 =	sne.s32 s2, $0x0  }
0xe7: {  	s3 =	rddreg [dreg:$0x2];
	[bflag:$0x3] =	sbarrier.arrive $0xFFFF;
	s2 =	simm.s32 @!p0 $0x1C03  }
0xe8: {  	[timem:s3], [sflag:s2] =	dma.local @!p0 [hbm:s0], s1  }
0xe9: {  	s0 =	simm.s32 @!p0 $0x3  }
0xea: {  	_ =	swait.ge @!p0 [sflag:s0], s1  }
0xeb: {  	s1 =	ssub.s32 @!p0 $0x0, s1;
	[sflag:s0] =	ssyncset.done @!p0 $0x0  }
0xec: {  	[sflag:s0] =	ssyncadd.s32 @!p0 s1  }
0xed: {  	[bflag:$0x3] =	sbarrier.arrive $0xFFFF  }
0xee: {  	_ =	shalt  }

// kernel: kernel.7.cloned.1.call-start
scs
__scs_entry_jumppad:
0x0: {  	(pc) =	sbr.rel $0x88, $3  }
0x1: {  	(tag) =	ssettag $0x0;
	lr =	simm.s32 $0x1  }
0x2: {  	[smem:$0x3F9C] =	sst lr;
	_ =	strace $0xD0000000  }
0x3: {  	_ = 	snop  }
0x4: {  	_ = 	snop  }
0x5: {  	_ = 	snop  }
0x6: {  	_ = 	snop  }
0x7: {  	_ = 	snop  }
__scs_overlays_trampoline_lowered:
0x8: {  	[smem:$0x3FAB] =	sst s0  }
0x9: {  	[smem:$0x3FAC] =	sst s1  }
0xa: {  	[smem:$0x3FAD] =	sst s2  }
0xb: {  	[smem:$0x3FAE] =	sst s3  }
0xc: {  	[smem:$0x3FAF] =	sst s4  }
0xd: {  	[smem:$0x3FB0] =	sst s5  }
0xe: {  	[smem:$0x3FB1] =	sst s6  }
0xf: {  	[smem:$0x3FB2] =	sst s7  }
0x10: {  	[smem:$0x3FB3] =	sst s8  }
0x11: {  	[smem:$0x3FB4] =	sst s9;
	s0 =	simm.s32 @!p0 $0x0  }
0x12: {  	s1 =	sld [smem:$0x3F9A];
	s0 =	simm.s32 @p0 $0x1  }
0x13: {  	[smem:$0x3FB5] =	sst s0;
	s0 =	simm.s32 @!p1 $0x0  }
0x14: {  	s2 =	sld [smem:$0x3F99];
	s0 =	simm.s32 @p1 $0x1  }
0x15: {  	[smem:$0x3FB6] =	sst s0;
	s0 =	simm.s32 @!p2 $0x0  }
0x16: {  	s3 =	sld [smem:$0x3FDB];
	s0 =	simm.s32 @p2 $0x1  }
0x17: {  	s4 =	simm.s32 $0x1BF5;
	[smem:$0x3FB8] =	sst s0  }
0x18: {  	s0 =	sld [smem:$0x3F9B];
	_ =	swait.ge [sflag:s4], $0x0  }
0x19: {  	s7 =	sld [smem:$0x3F9C]  }
0x1a: {  	s8 =	sadd.s32 $0xFFFFE003, lr  }
0x1b: {  	s9 =	sadd.s32 $0xFFFFFEF7, lr;
	s5 =	simm.s32 $0xFFFFFFFF;
	p2 =	slt.u32 s8, $0xFFFFF086  }
0x1c: {  	p1 =	slt.u32 s9, $0xF7A;
	s5 =	simm.s32 @!p2 $0x0  }
0x1d: {  	s5 =	simm.s32 @p1 $0x1;
	p0 =	seq.s32 s7, s2  }
0x1e: {  	s7 =	smul.u32 @!p0 $0xF7A, s2;
	p2 =	seq.s32 @!p0 s5, $0x0  }
0x1f: {  	s9 =	smul.u32 $0xF7A, s1;
	s8 =	simm.s32 @!p0 $0x1BF5;
	p2 =	por !p2, p0  }
0x20: {  	[sflag:s8] =	ssyncset.s32 @!p0 $0xFFFFF086;
	s6 =	sadd.s32 @!p0 s3, s7;
	s7 =	simm.s32 @!p0 $0x108  }
0x21: {  	s3 =	sadd.s32 s3, s9;
	s6 =	sadd.s32 @!p0 $0x88, s6;
	s7 =	simm.s32 @p2 $0x1082  }
0x22: {  	[simem:s7], [sflag:s8] =	dma.local @!p0 [hbm:s6], $0xF7A  }
0x23: {  	s9 =	sor.u32 $0xD0000000, s2;
	s6 =	simm.s32 $0x108;
	_ =	swait.ge @!p0 [sflag:s8], $0x0  }
0x24: {  	s3 =	sadd.s32 $0x88, s3;
	s6 =	simm.s32 @!p1 $0x1082;
	[sflag:s4] =	ssyncset.s32 $0xFFFFF086  }
0x25: {  	[simem:s6], [sflag:s4] =	dma.local [hbm:s3], $0xF7A  }
0x26: {  	[smem:$0x3F9C] =	sst s1;
	(tag) =	ssettag s2;
	_ =	strace s9  }
0x27: {  	s1 =	sld [smem:$0x3FAC]  }
0x28: {  	s2 =	sld [smem:$0x3FAD]  }
0x29: {  	s4 =	sld [smem:$0x3FAF]  }
0x2a: {  	p0 =	seq.s32 s5, $0x0;
	s5 =	sld [smem:$0x3FB0]  }
0x2b: {  	s6 =	sld [smem:$0x3FB1]  }
0x2c: {  	s7 =	sld [smem:$0x3FB2]  }
0x2d: {  	s3 =	simm.s32 $0x108;
	s8 =	sld [smem:$0x3FB3]  }
0x2e: {  	s3 =	simm.s32 @!p0 $0x1082;
	s9 =	sld [smem:$0x3FB4]  }
0x2f: {  	lr =	sadd.s32 s0, s3;
	s0 =	sld [smem:$0x3FAB]  }
0x30: {  	s3 =	sld [smem:$0x3FAE]  }
0x31: {  	[smem:$0x3FB7] =	sst s10  }
0x32: {  	s10 =	sld [smem:$0x3FB5];
	_ =	sdelay $0x3  }
0x33: {  	p0 =	seq.s32 s10, $0x1;
	s10 =	sld [smem:$0x3FB7];
	_ =	sdelay $0x3  }
0x34: {  	[smem:$0x3FB7] =	sst s10  }
0x35: {  	s10 =	sld [smem:$0x3FB6];
	_ =	sdelay $0x3  }
0x36: {  	p1 =	seq.s32 s10, $0x1;
	s10 =	sld [smem:$0x3FB7];
	_ =	sdelay $0x3  }
0x37: {  	[smem:$0x3FB7] =	sst s10  }
0x38: {  	s10 =	sld [smem:$0x3FB8]  }
0x39: {  	_ = 	snop;
	(pc) =	sbr.ind lr, $3  }
0x3a: {  	_ = 	snop  }
0x3b: {  	_ = 	snop  }
0x3c: {  	p2 =	seq.s32 s10, $0x1;
	s10 =	sld [smem:$0x3FB7]  }
0x3d: {  	_ =	shalt  }
0x3e: {  	_ =	shalt  }
0x3f: {  	_ =	shalt  }
0x40: {  	_ =	shalt  }
0x41: {  	_ =	shalt  }
0x42: {  	_ =	shalt  }
0x43: {  	_ =	shalt  }
0x44: {  	_ =	shalt  }
0x45: {  	_ =	shalt  }
0x46: {  	_ =	shalt  }
0x47: {  	_ =	shalt  }
0x48: {  	_ =	shalt  }
0x49: {  	_ =	shalt  }
0x4a: {  	_ =	shalt  }
0x4b: {  	_ =	shalt  }
0x4c: {  	_ =	shalt  }
0x4d: {  	_ =	shalt  }
0x4e: {  	_ =	shalt  }
0x4f: {  	_ =	shalt  }
0x50: {  	_ =	shalt  }
0x51: {  	_ =	shalt  }
0x52: {  	_ =	shalt  }
0x53: {  	_ =	shalt  }
0x54: {  	_ =	shalt  }
0x55: {  	_ =	shalt  }
0x56: {  	_ =	shalt  }
0x57: {  	_ =	shalt  }
0x58: {  	_ =	shalt  }
0x59: {  	_ =	shalt  }
0x5a: {  	_ =	shalt  }
0x5b: {  	_ =	shalt  }
0x5c: {  	_ =	shalt  }
0x5d: {  	_ =	shalt  }
0x5e: {  	_ =	shalt  }
0x5f: {  	_ =	shalt  }
0x60: {  	_ =	shalt  }
0x61: {  	_ =	shalt  }
0x62: {  	_ =	shalt  }
0x63: {  	_ =	shalt  }
0x64: {  	_ =	shalt  }
0x65: {  	_ =	shalt  }
0x66: {  	_ =	shalt  }
0x67: {  	_ =	shalt  }
0x68: {  	_ =	shalt  }
0x69: {  	_ =	shalt  }
0x6a: {  	_ =	shalt  }
0x6b: {  	_ =	shalt  }
0x6c: {  	_ =	shalt  }
0x6d: {  	_ =	shalt  }
0x6e: {  	_ =	shalt  }
0x6f: {  	_ =	shalt  }
0x70: {  	_ =	shalt  }
0x71: {  	_ =	shalt  }
0x72: {  	_ =	shalt  }
0x73: {  	_ =	shalt  }
0x74: {  	_ =	shalt  }
0x75: {  	_ =	shalt  }
0x76: {  	_ =	shalt  }
0x77: {  	_ =	shalt  }
0x78: {  	_ =	shalt  }
0x79: {  	_ =	shalt  }
0x7a: {  	_ =	shalt  }
0x7b: {  	_ =	shalt  }
0x7c: {  	_ =	shalt  }
0x7d: {  	_ =	shalt  }
0x7e: {  	_ =	shalt  }
0x7f: {  	_ =	shalt  }
0x80: {  	_ =	shalt  }
0x81: {  	_ =	shalt  }
0x82: {  	_ =	shalt  }
0x83: {  	_ =	shalt  }
0x84: {  	_ =	shalt  }
0x85: {  	_ =	shalt  }
0x86: {  	_ =	shalt  }
0x87: {  	_ =	shalt  }
.Lfunc_end0:
.L_simem_size_0:
called_computation_lowered:
.L_overlay_start_0:
0x88: {  	s2 =	sld [smem:$0x3FD9]  }
0x89: {  	s3 =	sld [smem:$0x3FFE];
	_ =	sdelay $0x1  }
0x8a: {  	s1 =	srdreg.scid  }
0x8b: {  	s0 =	sand.u32 $0x1, s1  }
0x8c: {  	s17 =	sshll.u32 s0, $0xA;
	s2 =	sadd.s32 s3, s2  }
0x8d: {  	s2 =	sadd.s32 s2, s17  }
0x8e: {  	[smem:$0x3FC3] =	sst s2  }
0x8f: {  	_ = 	snop  }
0x90: {  	s2 =	sld [smem:$0x3FD0];
	(tm) =	ssettm $0x1  }
0x91: {  	s18 =	sld [smem:$0x3FFB];
	_ =	sdelay $0x3  }
0x92: {  	_ =	strace s18  }
0x93: {  	s3 =	sld [smem:$0x3FFC];
	_ =	sdelay $0x3  }
0x94: {  	_ =	strace s3  }
0x95: {  	s3 =	sld [smem:$0x3FFD];
	_ =	sdelay $0x3  }
0x96: {  	_ =	strace s3  }
0x97: {  	_ =	strace $0x8FFFFFFF  }
0x98: {  	s19 =	sld [smem:$0x3FDB];
	_ =	sdelay $0x1  }
0x99: {  	s4 =	simm.s32 $_scs_section_size  }
0x9a: {  	s5 =	simm.s32 $_size__tile_overlayer_lowered;
	s6 =	simm.s32 $_tile_overlayer_lowered  }
0x9b: {  	s22 =	simm.s32 $0x1BFF;
	s21 =	sshll.u32 s6, $0x1;
	s3 =	sadd.s32 s4, s19  }
0x9c: {  	s7 =	simm.s32 $0x0;
	s20 =	sshll.u32 s5, $0x1;
	s5 =	sadd.s32 s21, s3  }
0x9d: {  	[timem:s7], [sflag:s22] =	dma.local [hbm:s5], s20  }
0x9e: {  	_ =	swait.ge [sflag:s22], s20  }
0x9f: {  	s4 =	ssub.s32 $0x0, s20;
	[sflag:s22] =	ssyncset.done $0x0  }
0xa0: {  	[sflag:s22] =	ssyncadd.s32 s4;
	_ =	sdelay $0x1  }
0xa1: {  	s23 =	simm.s32 $0x1B8B  }
0xa2: {  	_ =	swait.ge [sflag:s23], $0x1  }
0xa3: {  	[sflag:s23] =	ssyncset.done $0x0  }
0xa4: {  	s25 =	simm.s32 $0x1B8E;
	s24 =	sld [smem:$0x3FFE];
	[sflag:s23] =	ssyncadd.s32 $0xFFFFFFFF  }
0xa5: {  	s26 =	simm.s32 $execute0_lowered;
	[smem:$0x3FD2] =	sst s25  }
0xa6: {  	s5 =	sshll.u32 s26, $0x1;
	_ =	strace $0x80000046;
	[dreg:$0x1] =	wrdreg $0xFFFFFFFF  }
0xa7: {  	s28 =	simm.s32 $_size_execute0_lowered;
	s3 =	sadd.s32 s3, s5;
	[dreg:$0x0] =	wrdreg $0x0  }
0xa8: {  	s5 =	sshll.u32 s28, $0x1;
	[dreg:$0x2] =	wrdreg s3  }
0xa9: {  	[dreg:$0x3] =	wrdreg s5  }
0xaa: {  	[dreg:$0x4] =	wrdreg $0xC0  }
0xab: {  	_ =	task [dreg:s7], $0x5FFFF  }
0xac: {  	[dreg:$0x1] =	wrdreg $0xFFFFFFFF  }
0xad: {  	[dreg:$0x0] =	wrdreg $0x60  }
0xae: {  	[dreg:$0x2] =	wrdreg s2  }
0xaf: {  	[dreg:$0x3] =	wrdreg s24  }
0xb0: {  	[dreg:$0x4] =	wrdreg $0x68000  }
0xb1: {  	[dreg:$0x5] =	wrdreg $0x9  }
0xb2: {  	_ =	task.clear_ibuf [dreg:s7], $0x6FFFF;
	_ =	strace $0x90000046  }
0xb3: {  	s29 =	simm.s32 $0x9;
	_ =	strace $0x80000048  }
0xb4: {  	_ =	swait.ge [sflag:s29], $0x1  }
0xb5: {  	[sflag:s29] =	ssyncadd.s32 $0xFFFFFFFF  }
0xb6: {  	_ =	strace $0x90000048  }
0xb7: {  	_ =	sfence  }
0xb8: {  	s30 =	sld [smem:$0x0];
	_ =	sdelay $0x2  }
0xb9: {  	s31 =	sshll.u32 s1, $0xD;
	s1 =	sshrl.u32 s1, $0x2  }
0xba: {  	s3 =	sand.u32 $0x4000, s31;
	s1 =	sadd.s32 s1, s30  }
0xbb: {  	s0 =	sor.u32 s3, s0;
	s1 =	sshll.u32 s1, $0x11  }
0xbc: {  	s0 =	sor.u32 s1, s0  }
0xbd: {  	s0 =	sadd.s32 $0x8F2B, s0  }
0xbe: {  	[sflag:s0] =	ssyncadd.remote.s32 $0x1  }
0xbf: {  	_ =	sfence.sel $0xFFFF  }
0xc0: {  	[dreg:$0x0] =	wrdreg $0xFFFFFFFF;
	(pc) =	sbr.abs _section_cstart, $3  }
0xc1: {  	[dreg:$0x1] =	wrdreg $0xFFFFFFFF  }
0xc2: {  	_ =	task.clear_ibuf [dreg:s7], $0x2FFFF;
	_ =	strace $0x9FFFFFFF  }
0xc3: {  	(tm) =	ssettm $0x7FFFFFFF  }
tec
execute0_lowered:
.L_overlay_start_1:
0x0: {  	(tag) =	ssettag $0x1  }
0x1: {  	s5 =	rddreg [dreg:$0x0]  }
0x2: {  	s4 =	rddreg [dreg:$0x1]  }
0x3: {  	s1 =	rddreg [dreg:$0x2];
	s2 =	srdreg.scid  }
0x4: {  	s0 =	rddreg [dreg:$0x3];
	s3 =	simm.s32 $0x0;
	s22 =	simm.s32 $0x80  }
0x5: {  	s23 =	simm.s32 $0x0;
	s6 =	sand.u32 $0x1, s2;
	s2 =	stileid.u32  }
0x6: {  	[smem:$0x7FF] =	sst s3;
	s19 =	sadd.s32 $0x2600, s4;
	s8 =	smul.u32 $0x50000, s2  }
0x7: {  	s7 =	sshll.u32 s6, $0x4;
	_ =	strace $0x80000047;
	s16 =	smul.u32 $0x140000, s6  }
0x8: {  	s28 =	ssub.s32 $0x2, s6;
	s15 =	smul.u32 $0x14000, s2;
	s7 =	sor.u32 s2, s7  }
0x9: {  	s9 =	sshrl.u32 s28, $0x1;
	s7 =	smul.u32 $0x500, s7;
	s8 =	sshrl.u32 s8, $0x2  }
0xa: {  	s29 =	ssub.s32 s28, s9;
	s10 =	sadd.s32 s16, s15;
	s12 =	sadd.s32 $0x4000, s15  }
0xb: {  	s17 =	sadd.s32 $0x8000, s15;
	s18 =	sadd.s32 $0xC000, s15;
	s21 =	sadd.s32 $0x10000, s15  }
0xc: {  	s4 =	sadd.s32 s8, s1;
	s6 =	smax.u32 s29, $0x1;
	s11 =	sshrl.u32 s10, $0x3  }
0xd: {  	s13 =	sadd.s32 s16, s12;
	s12 =	sadd.s32 s12, s1;
	s14 =	sadd.s32 s17, s1  }
0xe: {  	s17 =	sadd.s32 s16, s17;
	s20 =	sadd.s32 s16, s18;
	s31 =	sadd.s32 s16, s21  }
0xf: {  	s16 =	sadd.s32 s18, s1;
	s18 =	sadd.s32 s21, s1;
	s21 =	simm.s32 $0x1  }
0x10: {  	s5 =	sadd.s32 s5, s7;
	s7 =	sadd.s32 $0x4000, s4;
	s8 =	sadd.s32 $0x8000, s4  }
0x11: {  	s9 =	sadd.s32 $0xC000, s4;
	s10 =	sadd.s32 $0x10000, s4;
	s11 =	sadd.s32 s19, s11  }
0x12: {  	s13 =	sshrl.u32 s13, $0x3;
	s17 =	sshrl.u32 s17, $0x3;
	s30 =	sshrl.u32 s20, $0x3  }
0x13: {  	s20 =	sshrl.u32 s31, $0x3;
	s13 =	sadd.s32 s19, s13;
	s15 =	sadd.s32 s19, s17  }
0x14: {  	v0 =	vimm.f32 $0.0e+00;
	v1 =	vimm.f32 $1.000000000e+00;
	s17 =	sadd.s32 s19, s30;
	s19 =	sadd.s32 s19, s20;
	s20 =	simm.s32 $0x2800  }
.LBB2_1:
0x15: {  	s24 =	simm.s32 $0x0;
	s25 =	simm.s32 $0x200  }
.LBB2_2:
0x16: {  	p0 =	sne.s32 s25, $0xFE00;
	[tilespmem:s24+$0x2870] =	vst v0  }
0x17: {  	[tilespmem:s24+$0x2800] =	vst v0  }
0x18: {  	[tilespmem:s24+$0x2810] =	vst v0  }
.Ltmp0:
0x19: {  	[tilespmem:s24+$0x2820] =	vst v0;
	(pc) =	sbr.rel @p0 .LBB2_2-.Ltmp0, $4  }
0x1a: {  	[tilespmem:s24+$0x2830] =	vst v0  }
0x1b: {  	[tilespmem:s24+$0x2840] =	vst v0  }
0x1c: {  	[tilespmem:s24+$0x2850] =	vst v0  }
0x1d: {  	[tilespmem:s24+$0x2860] =	vst v0;
	s24 =	sshra.s32 s25, $0x2;
	s25 =	sadd.s32 $0x200, s25  }
0x1e: {  	[tilespmem:s24+$0x2870] =	vst v0  }
0x1f: {  	[tilespmem:s24+$0x2800] =	vst v0  }
0x20: {  	[tilespmem:s24+$0x2810] =	vst v0  }
0x21: {  	[tilespmem:s24+$0x2820] =	vst v0  }
0x22: {  	[tilespmem:s24+$0x2830] =	vst v0  }
0x23: {  	[tilespmem:s24+$0x2840] =	vst v0  }
0x24: {  	[tilespmem:s24+$0x2850] =	vst v0  }
0x25: {  	[tilespmem:s24+$0x2860] =	vst v0  }
0x26: {  	[spmem:s4] =	stream.linear.scatter [tilespmem:s20], [sflag:$0x1], $0x4000, $0x38;
	[tilespmem:$0x1A800] =	vst v63  }
0x27: {  	_ =	swait.ge [sflag:s21], $0x4000  }
0x28: {  	[sflag:s21] =	ssyncset.done $0x0  }
0x29: {  	[sflag:s21] =	ssyncadd.s32 $0xFFFFC000  }
0x2a: {  	[spmem:s7] =	stream.linear.scatter [tilespmem:s20], [sflag:$0x1], $0x4000, $0x38;
	[tilespmem:$0x1A800] =	vst v63  }
0x2b: {  	_ =	swait.ge [sflag:s21], $0x4000  }
0x2c: {  	[sflag:s21] =	ssyncset.done $0x0  }
0x2d: {  	[sflag:s21] =	ssyncadd.s32 $0xFFFFC000  }
0x2e: {  	[spmem:s8] =	stream.linear.scatter [tilespmem:s20], [sflag:$0x1], $0x4000, $0x38;
	[tilespmem:$0x1A800] =	vst v63  }
0x2f: {  	_ =	swait.ge [sflag:s21], $0x4000  }
0x30: {  	[sflag:s21] =	ssyncset.done $0x0  }
0x31: {  	[sflag:s21] =	ssyncadd.s32 $0xFFFFC000  }
0x32: {  	[spmem:s9] =	stream.linear.scatter [tilespmem:s20], [sflag:$0x1], $0x4000, $0x38;
	[tilespmem:$0x1A800] =	vst v63  }
0x33: {  	_ =	swait.ge [sflag:s21], $0x4000  }
0x34: {  	[sflag:s21] =	ssyncset.done $0x0  }
0x35: {  	[sflag:s21] =	ssyncadd.s32 $0xFFFFC000  }
0x36: {  	[spmem:s10] =	stream.linear.scatter [tilespmem:s20], [sflag:$0x1], $0x4000, $0x38;
	[tilespmem:$0x1A800] =	vst v63  }
0x37: {  	_ =	swait.ge [sflag:s21], $0x4000  }
0x38: {  	[sflag:s21] =	ssyncset.done $0x0  }
0x39: {  	s24 =	simm.s32 $0x0;
	s25 =	simm.s32 $0x200;
	[sflag:s21] =	ssyncadd.s32 $0xFFFFC000  }
.LBB2_4:
0x3a: {  	p0 =	sne.s32 s25, $0xFE00;
	[tilespmem:s24+$0x2870] =	vst v1  }
0x3b: {  	[tilespmem:s24+$0x2800] =	vst v1  }
0x3c: {  	[tilespmem:s24+$0x2810] =	vst v1  }
.Ltmp1:
0x3d: {  	[tilespmem:s24+$0x2820] =	vst v1;
	(pc) =	sbr.rel @p0 .LBB2_4-.Ltmp1, $4  }
0x3e: {  	[tilespmem:s24+$0x2830] =	vst v1  }
0x3f: {  	[tilespmem:s24+$0x2840] =	vst v1  }
0x40: {  	[tilespmem:s24+$0x2850] =	vst v1  }
0x41: {  	[tilespmem:s24+$0x2860] =	vst v1;
	s24 =	sshra.s32 s25, $0x2;
	s25 =	sadd.s32 $0x200, s25  }
0x42: {  	[tilespmem:s24+$0x2870] =	vst v1  }
0x43: {  	[tilespmem:s24+$0x2800] =	vst v1  }
0x44: {  	[tilespmem:s24+$0x2810] =	vst v1  }
0x45: {  	[tilespmem:s24+$0x2820] =	vst v1  }
0x46: {  	[tilespmem:s24+$0x2830] =	vst v1  }
0x47: {  	[tilespmem:s24+$0x2840] =	vst v1  }
0x48: {  	[tilespmem:s24+$0x2850] =	vst v1  }
0x49: {  	[tilespmem:s24+$0x2860] =	vst v1;
	s30 =	simm.s32 $0x0  }
0x4a: {  	[tilespmem:s30], [sflag:$0x1] =	stream.linear.gather [hbm4b:s5+s30], $0x2800, $0x38;
	[tilespmem:$0x1A800] =	vst v63  }
0x4b: {  	_ =	swait.ge [sflag:s21], $0x2800  }
0x4c: {  	[sflag:s21] =	ssyncset.done $0x0  }
0x4d: {  	[sflag:s21] =	ssyncadd.s32 $0xFFFFD800  }
0x4e: {  	s31 =	simm.s32 $0x0;
	[bflag:$0x0] =	sbarrier.arrive $0xFFFF  }
0x4f: {  	[spmem:s1] =	stream.indirect.scatter.add.f32 [tilespmem:s20], [sflag:$0x1], $0x80, s31, s22, $0xb8;
	[tilespmem:$0x1A800] =	vst v63  }
0x50: {  	_ =	swait.ge [sflag:s21], $0x4000  }
0x51: {  	s24 =	simm.s32 $0x200;
	[sflag:s21] =	ssyncset.done $0x0  }
.LBB2_6:
0x52: {  	s25 =	sshra.s32 s24, $0x2;
	[sflag:s21] =	ssyncadd.s32 $0xFFFFC000;
	p0 =	sne.s32 s24, $0x9E00  }
0x53: {  	[spmem:s1] =	stream.indirect.scatter.add.f32 [tilespmem:s20], [sflag:$0x1], $0x80, s25, s22, $0xb8;
	[tilespmem:$0x1A800] =	vst v63  }
.Ltmp2:
0x54: {  	_ = 	snop;
	(pc) =	sbr.rel @p0 .LBB2_6-.Ltmp2, $4  }
0x55: {  	_ = 	snop  }
0x56: {  	s24 =	sadd.s32 $0x200, s24  }
0x57: {  	_ =	swait.ge [sflag:s21], $0x4000  }
0x58: {  	[sflag:s21] =	ssyncset.done $0x0  }
0x59: {  	[sflag:s21] =	ssyncadd.s32 $0xFFFFC000  }
0x5a: {  	[bflag:$0x0] =	sbarrier.arrive $0xFFFF  }
0x5b: {  	[tilespmem:s20], [sflag:$0x1] =	stream.linear.gather [spmem:s4], $0x4000, $0x38;
	[tilespmem:$0x1A800] =	vst v63  }
0x5c: {  	_ =	swait.ge [sflag:s21], $0x4000  }
0x5d: {  	[sflag:s21] =	ssyncset.done $0x0  }
0x5e: {  	[sflag:s21] =	ssyncadd.s32 $0xFFFFC000  }
0x5f: {  	[hbm4b:s11+s3] =	stream.linear.scatter [tilespmem:s20], [sflag:$0x1], $0x4000, $0x38;
	[tilespmem:$0x1A800] =	vst v63  }
0x60: {  	_ =	swait.ge [sflag:s21], $0x4000  }
0x61: {  	[sflag:s21] =	ssyncset.done $0x0  }
0x62: {  	[sflag:s21] =	ssyncadd.s32 $0xFFFFC000  }
0x63: {  	[tilespmem:s20], [sflag:$0x1] =	stream.linear.gather [spmem:s12], $0x4000, $0x38;
	[tilespmem:$0x1A800] =	vst v63  }
0x64: {  	_ =	swait.ge [sflag:s21], $0x4000  }
0x65: {  	[sflag:s21] =	ssyncset.done $0x0  }
0x66: {  	[sflag:s21] =	ssyncadd.s32 $0xFFFFC000  }
0x67: {  	[hbm4b:s13+s3] =	stream.linear.scatter [tilespmem:s20], [sflag:$0x1], $0x4000, $0x38;
	[tilespmem:$0x1A800] =	vst v63  }
0x68: {  	_ =	swait.ge [sflag:s21], $0x4000  }
0x69: {  	[sflag:s21] =	ssyncset.done $0x0  }
0x6a: {  	[sflag:s21] =	ssyncadd.s32 $0xFFFFC000  }
0x6b: {  	[tilespmem:s20], [sflag:$0x1] =	stream.linear.gather [spmem:s14], $0x4000, $0x38;
	[tilespmem:$0x1A800] =	vst v63  }
0x6c: {  	_ =	swait.ge [sflag:s21], $0x4000  }
0x6d: {  	[sflag:s21] =	ssyncset.done $0x0  }
0x6e: {  	[sflag:s21] =	ssyncadd.s32 $0xFFFFC000  }
0x6f: {  	[hbm4b:s15+s3] =	stream.linear.scatter [tilespmem:s20], [sflag:$0x1], $0x4000, $0x38;
	[tilespmem:$0x1A800] =	vst v63  }
0x70: {  	_ =	swait.ge [sflag:s21], $0x4000  }
0x71: {  	[sflag:s21] =	ssyncset.done $0x0  }
0x72: {  	[sflag:s21] =	ssyncadd.s32 $0xFFFFC000  }
0x73: {  	[tilespmem:s20], [sflag:$0x1] =	stream.linear.gather [spmem:s16], $0x4000, $0x38;
	[tilespmem:$0x1A800] =	vst v63  }
0x74: {  	_ =	swait.ge [sflag:s21], $0x4000  }
0x75: {  	[sflag:s21] =	ssyncset.done $0x0  }
0x76: {  	[sflag:s21] =	ssyncadd.s32 $0xFFFFC000  }
0x77: {  	[hbm4b:s17+s3] =	stream.linear.scatter [tilespmem:s20], [sflag:$0x1], $0x4000, $0x38;
	[tilespmem:$0x1A800] =	vst v63  }
0x78: {  	_ =	swait.ge [sflag:s21], $0x4000  }
0x79: {  	[sflag:s21] =	ssyncset.done $0x0  }
0x7a: {  	[sflag:s21] =	ssyncadd.s32 $0xFFFFC000  }
0x7b: {  	[tilespmem:s20], [sflag:$0x1] =	stream.linear.gather [spmem:s18], $0x4000, $0x38;
	[tilespmem:$0x1A800] =	vst v63  }
0x7c: {  	s23 =	sadd.s32 $0x1, s23;
	_ =	swait.ge [sflag:s21], $0x4000  }
0x7d: {  	p0 =	sne.s32 s23, s6;
	[sflag:s21] =	ssyncset.done $0x0  }
.Ltmp3:
0x7e: {  	[sflag:s21] =	ssyncadd.s32 $0xFFFFC000;
	(pc) =	sbr.rel @p0 .LBB2_1-.Ltmp3, $4  }
0x7f: {  	[hbm4b:s19+s3] =	stream.linear.scatter [tilespmem:s20], [sflag:$0x1], $0x4000, $0x38;
	[tilespmem:$0x1A800] =	vst v63  }
0x80: {  	_ =	swait.ge [sflag:s21], $0x4000  }
0x81: {  	[sflag:s21] =	ssyncset.done $0x0  }
0x82: {  	[sflag:s21] =	ssyncadd.s32 $0xFFFFC000  }
0x83: {  	_ =	sfence.sel $0x180000  }
0x84: {  	[bflag:$0x0] =	sbarrier.arrive $0xFFFF  }
0x85: {  	p0 =	sne.s32 s2, $0x0;
	_ =	strace $0x90000047  }
0x86: {  	s0 =	sadd.s32 @!p0 $0x100000, s0;
	[bflag:$0x2] =	sbarrier.arrive $0xFFFF  }
0x87: {  	[sflag:s0] =	ssyncadd.tile.s32 @!p0 $0x1;
	_ =	shalt  }
.Lfunc_end2:
_tile_overlayer_lowered:
.L_overlay_start_2:
0x88: {  	(tag) =	ssettag $0x2  }
0x89: {  	s0 =	rddreg [dreg:$0x0];
	s2 =	stileid.u32  }
0x8a: {  	s1 =	rddreg [dreg:$0x1];
	p0 =	sne.s32 s2, $0x0  }
0x8b: {  	s3 =	rddreg [dreg:$0x2];
	[bflag:$0x3] =	sbarrier.arrive $0xFFFF;
	s2 =	simm.s32 @!p0 $0x1C01  }
0x8c: {  	[timem:s3], [sflag:s2] =	dma.local @!p0 [hbm:s0], s1  }
0x8d: {  	s0 =	simm.s32 @!p0 $0x1  }
0x8e: {  	_ =	swait.ge @!p0 [sflag:s0], s1  }
0x8f: {  	s1 =	ssub.s32 @!p0 $0x0, s1;
	[sflag:s0] =	ssyncset.done @!p0 $0x0  }
0x90: {  	[sflag:s0] =	ssyncadd.s32 @!p0 s1  }
0x91: {  	[bflag:$0x3] =	sbarrier.arrive $0xFFFF  }
0x92: {  	_ =	shalt  }

</sc_bundles>
